<compile_context>
chip_gen: v7x
topology: tpu7x:2x2x1
jax: 0.10.2.dev20260603
libtpu: 0.0.44.dev20260713+nightly
codegen_flags: <defaults>
</compile_context>

<pallas_src>
import functools

import jax
import jax.numpy as jnp
from jax import lax
from jax.experimental import pallas as pl
from jax.experimental.pallas import tpu as pltpu
from jax.experimental.pallas import tpu_sc as plsc

B = 16384
F = 26
D = 16
BF = B * F
NC, NS, L = 2, 16, 16
NW = NC * NS
PER_W = BF // NW
CHUNK = 128
NCH = PER_W // CHUNK
CW = CHUNK * D
HW = CW // 2
FS = B * D
DHS = B * D // 2

_mesh = plsc.VectorSubcoreMesh(core_axis_name="c", subcore_axis_name="s")


@functools.partial(
    pl.kernel,
    out_type=jax.ShapeDtypeStruct((BF * D,), jnp.float32),
    mesh=_mesh,
    scratch_types=[
        pltpu.VMEM((PER_W,), jnp.int32),
        pltpu.VMEM((32,), jnp.int32),
        pltpu.VMEM((4 * CHUNK, D), jnp.float32),
        pltpu.VMEM((2 * CW,), jnp.float32),
        pltpu.SemaphoreType.DMA,
        pltpu.SemaphoreType.DMA,
    ],
    compiler_params=pltpu.CompilerParams(
        use_tc_tiling_on_sc=False, needs_layout_passes=False
    ),
)
def _embed(x_hbm, table_hbm, offs_hbm, out_hbm, xv, offs_v, big_v, stage_v,
           gsem, osem):
    wid = lax.axis_index("s") * NC + lax.axis_index("c")
    base = wid * PER_W

    pltpu.sync_copy(x_hbm.at[pl.ds(base, PER_W)], xv)
    pltpu.sync_copy(offs_hbm, offs_v)

    def add_body(c, carry):
        f = lax.shift_right_logical(base + c * CHUNK, 14)
        off = plsc.load_gather(offs_v, [lax.broadcast(f, (L,))])
        for k in range(CHUNK // L):
            s = pl.ds(c * CHUNK + k * L, L)
            xv[s] = xv[s] + off
        return carry

    lax.fori_loop(0, NCH, add_body, 0)

    iota = lax.iota(jnp.int32, L)
    cols = [lax.broadcast(jnp.int32(d), (L,)) for d in range(D)]

    def bigbuf(c):
        return big_v.at[pl.ds(lax.rem(c, 4) * CHUNK, CHUNK)]

    def fire(c):
        pltpu.async_copy(
            table_hbm.at[xv.at[pl.ds(c * CHUNK, CHUNK)]], bigbuf(c), gsem
        )

    def drain_gather(c):
        pltpu.make_async_copy(
            table_hbm.at[pl.ds(0, CHUNK)], bigbuf(c), gsem
        ).wait()

    def extract(c):
        src = bigbuf(c)
        sbuf = lax.rem(c, 2) * CW

        for b in range(CHUNK // L):
            row = iota + b * L
            sb = sbuf + b * L
            for d in range(D):
                vals = plsc.load_gather(src, [row, cols[d]])
                stage_v[pl.ds(sb + d * CHUNK, L)] = vals

    def out_half(c, dh):
        j0 = base + c * CHUNK
        f = lax.shift_right_logical(j0, 14)
        bt = lax.shift_right_logical(lax.rem(j0, B), 7)
        return out_hbm.at[pl.ds(f * FS + dh * DHS + bt * HW, HW)]

    def stage_half(c, dh):
        return stage_v.at[pl.ds(lax.rem(c, 2) * CW + dh * HW, HW)]

    fire(0)
    fire(1)
    fire(2)

    def chunk_body(c, carry):
        @pl.when(c + 3 < NCH)
        def _():
            fire(c + 3)

        @pl.when(c >= 2)
        def _():
            pltpu.make_async_copy(stage_half(c, 0), out_half(c, 0), osem).wait()
            pltpu.make_async_copy(stage_half(c, 1), out_half(c, 1), osem).wait()

        drain_gather(c)
        extract(c)
        pltpu.async_copy(stage_half(c, 0), out_half(c, 0), osem)
        pltpu.async_copy(stage_half(c, 1), out_half(c, 1), osem)
        return carry

    lax.fori_loop(0, NCH, chunk_body, 0)

    for c in (NCH - 2, NCH - 1):
        pltpu.make_async_copy(stage_half(c, 0), out_half(c, 0), osem).wait()
        pltpu.make_async_copy(stage_half(c, 1), out_half(c, 1), osem).wait()


def kernel(x_cat, table, offsets):
    xT = jnp.transpose(x_cat).reshape(BF)
    offs_pad = jnp.concatenate([offsets, jnp.zeros((32 - F,), jnp.int32)])
    out = _embed(xT, table, offs_pad)
    out5 = out.reshape(F, 2, B // 128, D // 2, 128)
    return out5.transpose(2, 4, 0, 1, 3).reshape(B, F, D)

# --- scband reference (transcript-rebuilt; emitter-appended) ---
"""Pipeline reference for scband-cat-embedding-65180423684631 (READ-ONLY COPY).

The authoritative reference and input builder live on the scoring server;
editing this copy changes nothing except your own understanding.
"""

import jax, jax.numpy as jnp
import numpy as np

CATEGORIES = [40000] * 26
D_EMBED = 16
BATCH = 16384
N_FIELDS = 26
TOTAL = sum(CATEGORIES)


def setup_inputs(seed: int = 0) -> dict:
    key = jax.random.key(seed)
    k1, k2 = jax.random.split(key)
    x_cat = jax.random.randint(k1, (BATCH, N_FIELDS), 0, 40000, dtype=jnp.int32)
    # xavier_uniform init for embedding table of shape (TOTAL, D_EMBED)
    limit = float(np.sqrt(6.0 / (TOTAL + D_EMBED)))
    table = jax.random.uniform(k2, (TOTAL, D_EMBED), dtype=jnp.float32, minval=-limit, maxval=limit)
    offsets = jnp.cumsum(jnp.array([0] + CATEGORIES[:-1], dtype=jnp.int32))
    return {"x_cat": x_cat, "table": table, "offsets": offsets}


def reference(x_cat, table, offsets):
    # x = x_cat + offsets[None]; out = embeddings(x)
    x = x_cat + offsets[None, :]
    return jnp.take(table, x, axis=0)

if __name__ == "__main__":
    import jax
    _d = setup_inputs()
    print(jax.jit(kernel)(*tuple(_d.values())))

</pallas_src>

<mosaic_0001>
#map = affine_map<(d0, d1) -> (0)>
#map1 = affine_map<(d0, d1) -> (0, 0)>
module attributes {stable_mosaic.version = 14 : i64} {
  func.func @_embed(%arg0: i32, %arg1: i32, %arg2: memref<425984xi32, #tpu.memory_space<hbm>>, %arg3: memref<1040000x16xf32, #tpu.memory_space<hbm>>, %arg4: memref<32xi32, #tpu.memory_space<hbm>>, %arg5: memref<6815744xf32, #tpu.memory_space<hbm>>, %arg6: memref<13312xi32, #tpu.memory_space<vmem>>, %arg7: memref<32xi32, #tpu.memory_space<vmem>>, %arg8: memref<512x16xf32, #tpu.memory_space<vmem>>, %arg9: memref<4096xf32, #tpu.memory_space<vmem>>, %arg10: memref<!tpu.dma_semaphore, #tpu.memory_space<semaphore_mem>>, %arg11: memref<!tpu.dma_semaphore, #tpu.memory_space<semaphore_mem>>) attributes {dimension_semantics = [#tpu.dimension_semantics<core_parallel>, #tpu.dimension_semantics<subcore_parallel>], iteration_bounds = array<i64: 2, 16>, scalar_prefetch = 0 : i64, scratch_operands = 6 : i64, tpu.core_type = #tpu.core_type<sc_vector_subcore>, window_params = [{transform_indices = #map}, {transform_indices = #map1}, {transform_indices = #map}, {transform_indices = #map}]} {
    %mul3A = arith.constant 2 : i32
    %mul3A_0 = arith.muli %arg1, %mul3A : i32
    %add3A = arith.addi %mul3A_0, %arg0 : i32
    %mul3A_1 = arith.constant 13312 : i32
    %mul3A_2 = arith.muli %add3A, %mul3A_1 : i32
    "tpu.region"() ({
      %run_scoped3A = tpu.sem_alloc : memref<!tpu.dma_semaphore, #tpu.memory_space<semaphore_mem>>
      %dma_start3A_181 = tpu.memref_slice %arg2[%mul3A_2] : memref<425984xi32, #tpu.memory_space<hbm>> -> memref<13312xi32, #tpu.memory_space<hbm>>
      %dma_start3A_182 = tpu.memref_slice %arg2[%mul3A_2] : memref<425984xi32, #tpu.memory_space<hbm>> -> memref<13312xi32, #tpu.memory_space<hbm>>
      tpu.enqueue_dma source(%dma_start3A_182 : memref<13312xi32, #tpu.memory_space<hbm>>) target(%arg6 : memref<13312xi32, #tpu.memory_space<vmem>>) target_semaphore(%run_scoped3A : memref<!tpu.dma_semaphore, #tpu.memory_space<semaphore_mem>>)
      %dma_wait3A_183 = tpu.memref_slice %arg2[%mul3A_2] : memref<425984xi32, #tpu.memory_space<hbm>> -> memref<13312xi32, #tpu.memory_space<hbm>>
      %dma_wait3A_184 = tpu.memref_slice %arg2[%mul3A_2] : memref<425984xi32, #tpu.memory_space<hbm>> -> memref<13312xi32, #tpu.memory_space<hbm>>
      tpu.wait_dma2 semaphore(%run_scoped3A : memref<!tpu.dma_semaphore, #tpu.memory_space<semaphore_mem>>) src(%dma_wait3A_184 : memref<13312xi32, #tpu.memory_space<hbm>>) dst(%arg6 : memref<13312xi32, #tpu.memory_space<vmem>>)
      tpu.yield
    }) : () -> ()
    "tpu.region"() ({
      %run_scoped3A = tpu.sem_alloc : memref<!tpu.dma_semaphore, #tpu.memory_space<semaphore_mem>>
      tpu.enqueue_dma source(%arg4 : memref<32xi32, #tpu.memory_space<hbm>>) target(%arg7 : memref<32xi32, #tpu.memory_space<vmem>>) target_semaphore(%run_scoped3A : memref<!tpu.dma_semaphore, #tpu.memory_space<semaphore_mem>>)
      tpu.wait_dma2 semaphore(%run_scoped3A : memref<!tpu.dma_semaphore, #tpu.memory_space<semaphore_mem>>) src(%arg4 : memref<32xi32, #tpu.memory_space<hbm>>) dst(%arg7 : memref<32xi32, #tpu.memory_space<vmem>>)
      tpu.yield
    }) : () -> ()
    %scan3A = arith.constant 0 : i32
    %scan3A_3 = arith.constant 0 : i32
    %scan3A_4 = arith.constant 104 : i32
    %scan3A_5 = arith.addi %scan3A_3, %scan3A_4 : i32
    %scan3A_6 = arith.constant 1 : i32
    scf.for %scan3A_181 = %scan3A_3 to %scan3A_5 step %scan3A_6  : i32 {
      %mul3A_182 = arith.constant 128 : i32
      %mul3A_183 = arith.muli %scan3A_181, %mul3A_182 : i32
      %add3A_184 = arith.addi %mul3A_2, %mul3A_183 : i32
      %shift_right_logical3A_185 = arith.constant 14 : i32
      %shift_right_logical3A_186 = arith.shrui %add3A_184, %shift_right_logical3A_185 : i32
      %broadcast_in_dim3A_187 = vector.broadcast %shift_right_logical3A_186 : i32 to vector<16xi32>
      %gather3A = tpu.vector_load_idx %arg7[%broadcast_in_dim3A_187] : memref<32xi32, #tpu.memory_space<vmem>>[vector<16xi32>], vector<16xi32>,
      %mul3A_188 = arith.constant 128 : i32
      %mul3A_189 = arith.muli %scan3A_181, %mul3A_188 : i32
      %add3A_190 = arith.constant 0 : i32
      %add3A_191 = arith.addi %mul3A_189, %add3A_190 : i32
      %get3A = arith.index_cast %add3A_191 : i32 to index
      %get3A_192 = tpu.vector_load %arg6[%get3A] {strides = array<i32>} : memref<13312xi32, #tpu.memory_space<vmem>>, vector<16xi32>,
      %add3A_193 = arith.addi %get3A_192, %gather3A : vector<16xi32>
      %swap3A = arith.index_cast %add3A_191 : i32 to index
      %swap3A_194 = tpu.vector_load %arg6[%swap3A] {strides = array<i32>} : memref<13312xi32, #tpu.memory_space<vmem>>, vector<16xi32>,
      tpu.vector_store %arg6[%swap3A], %add3A_193 {strides = array<i32>} : memref<13312xi32, #tpu.memory_space<vmem>>, vector<16xi32>,
      %mul3A_195 = arith.constant 128 : i32
      %mul3A_196 = arith.muli %scan3A_181, %mul3A_195 : i32
      %add3A_197 = arith.constant 16 : i32
      %add3A_198 = arith.addi %mul3A_196, %add3A_197 : i32
      %get3A_199 = arith.index_cast %add3A_198 : i32 to index
      %get3A_200 = tpu.vector_load %arg6[%get3A_199] {strides = array<i32>} : memref<13312xi32, #tpu.memory_space<vmem>>, vector<16xi32>,
      %add3A_201 = arith.addi %get3A_200, %gather3A : vector<16xi32>
      %swap3A_202 = arith.index_cast %add3A_198 : i32 to index
      %swap3A_203 = tpu.vector_load %arg6[%swap3A_202] {strides = array<i32>} : memref<13312xi32, #tpu.memory_space<vmem>>, vector<16xi32>,
      tpu.vector_store %arg6[%swap3A_202], %add3A_201 {strides = array<i32>} : memref<13312xi32, #tpu.memory_space<vmem>>, vector<16xi32>,
      %mul3A_204 = arith.constant 128 : i32
      %mul3A_205 = arith.muli %scan3A_181, %mul3A_204 : i32
      %add3A_206 = arith.constant 32 : i32
      %add3A_207 = arith.addi %mul3A_205, %add3A_206 : i32
      %get3A_208 = arith.index_cast %add3A_207 : i32 to index
      %get3A_209 = tpu.vector_load %arg6[%get3A_208] {strides = array<i32>} : memref<13312xi32, #tpu.memory_space<vmem>>, vector<16xi32>,
      %add3A_210 = arith.addi %get3A_209, %gather3A : vector<16xi32>
      %swap3A_211 = arith.index_cast %add3A_207 : i32 to index
      %swap3A_212 = tpu.vector_load %arg6[%swap3A_211] {strides = array<i32>} : memref<13312xi32, #tpu.memory_space<vmem>>, vector<16xi32>,
      tpu.vector_store %arg6[%swap3A_211], %add3A_210 {strides = array<i32>} : memref<13312xi32, #tpu.memory_space<vmem>>, vector<16xi32>,
      %mul3A_213 = arith.constant 128 : i32
      %mul3A_214 = arith.muli %scan3A_181, %mul3A_213 : i32
      %add3A_215 = arith.constant 48 : i32
      %add3A_216 = arith.addi %mul3A_214, %add3A_215 : i32
      %get3A_217 = arith.index_cast %add3A_216 : i32 to index
      %get3A_218 = tpu.vector_load %arg6[%get3A_217] {strides = array<i32>} : memref<13312xi32, #tpu.memory_space<vmem>>, vector<16xi32>,
      %add3A_219 = arith.addi %get3A_218, %gather3A : vector<16xi32>
      %swap3A_220 = arith.index_cast %add3A_216 : i32 to index
      %swap3A_221 = tpu.vector_load %arg6[%swap3A_220] {strides = array<i32>} : memref<13312xi32, #tpu.memory_space<vmem>>, vector<16xi32>,
      tpu.vector_store %arg6[%swap3A_220], %add3A_219 {strides = array<i32>} : memref<13312xi32, #tpu.memory_space<vmem>>, vector<16xi32>,
      %mul3A_222 = arith.constant 128 : i32
      %mul3A_223 = arith.muli %scan3A_181, %mul3A_222 : i32
      %add3A_224 = arith.constant 64 : i32
      %add3A_225 = arith.addi %mul3A_223, %add3A_224 : i32
      %get3A_226 = arith.index_cast %add3A_225 : i32 to index
      %get3A_227 = tpu.vector_load %arg6[%get3A_226] {strides = array<i32>} : memref<13312xi32, #tpu.memory_space<vmem>>, vector<16xi32>,
      %add3A_228 = arith.addi %get3A_227, %gather3A : vector<16xi32>
      %swap3A_229 = arith.index_cast %add3A_225 : i32 to index
      %swap3A_230 = tpu.vector_load %arg6[%swap3A_229] {strides = array<i32>} : memref<13312xi32, #tpu.memory_space<vmem>>, vector<16xi32>,
      tpu.vector_store %arg6[%swap3A_229], %add3A_228 {strides = array<i32>} : memref<13312xi32, #tpu.memory_space<vmem>>, vector<16xi32>,
      %mul3A_231 = arith.constant 128 : i32
      %mul3A_232 = arith.muli %scan3A_181, %mul3A_231 : i32
      %add3A_233 = arith.constant 80 : i32
      %add3A_234 = arith.addi %mul3A_232, %add3A_233 : i32
      %get3A_235 = arith.index_cast %add3A_234 : i32 to index
      %get3A_236 = tpu.vector_load %arg6[%get3A_235] {strides = array<i32>} : memref<13312xi32, #tpu.memory_space<vmem>>, vector<16xi32>,
      %add3A_237 = arith.addi %get3A_236, %gather3A : vector<16xi32>
      %swap3A_238 = arith.index_cast %add3A_234 : i32 to index
      %swap3A_239 = tpu.vector_load %arg6[%swap3A_238] {strides = array<i32>} : memref<13312xi32, #tpu.memory_space<vmem>>, vector<16xi32>,
      tpu.vector_store %arg6[%swap3A_238], %add3A_237 {strides = array<i32>} : memref<13312xi32, #tpu.memory_space<vmem>>, vector<16xi32>,
      %mul3A_240 = arith.constant 128 : i32
      %mul3A_241 = arith.muli %scan3A_181, %mul3A_240 : i32
      %add3A_242 = arith.constant 96 : i32
      %add3A_243 = arith.addi %mul3A_241, %add3A_242 : i32
      %get3A_244 = arith.index_cast %add3A_243 : i32 to index
      %get3A_245 = tpu.vector_load %arg6[%get3A_244] {strides = array<i32>} : memref<13312xi32, #tpu.memory_space<vmem>>, vector<16xi32>,
      %add3A_246 = arith.addi %get3A_245, %gather3A : vector<16xi32>
      %swap3A_247 = arith.index_cast %add3A_243 : i32 to index
      %swap3A_248 = tpu.vector_load %arg6[%swap3A_247] {strides = array<i32>} : memref<13312xi32, #tpu.memory_space<vmem>>, vector<16xi32>,
      tpu.vector_store %arg6[%swap3A_247], %add3A_246 {strides = array<i32>} : memref<13312xi32, #tpu.memory_space<vmem>>, vector<16xi32>,
      %mul3A_249 = arith.constant 128 : i32
      %mul3A_250 = arith.muli %scan3A_181, %mul3A_249 : i32
      %add3A_251 = arith.constant 112 : i32
      %add3A_252 = arith.addi %mul3A_250, %add3A_251 : i32
      %get3A_253 = arith.index_cast %add3A_252 : i32 to index
      %get3A_254 = tpu.vector_load %arg6[%get3A_253] {strides = array<i32>} : memref<13312xi32, #tpu.memory_space<vmem>>, vector<16xi32>,
      %add3A_255 = arith.addi %get3A_254, %gather3A : vector<16xi32>
      %swap3A_256 = arith.index_cast %add3A_252 : i32 to index
      %swap3A_257 = tpu.vector_load %arg6[%swap3A_256] {strides = array<i32>} : memref<13312xi32, #tpu.memory_space<vmem>>, vector<16xi32>,
      tpu.vector_store %arg6[%swap3A_256], %add3A_255 {strides = array<i32>} : memref<13312xi32, #tpu.memory_space<vmem>>, vector<16xi32>,
    }
    %scan3A_7 = arith.constant 104 : i32
    %iota3A = tpu.iota {dimensions = array<i32: 0>} : vector<16xi32>
    %broadcast_in_dim3A = arith.constant 0 : i32
    %broadcast_in_dim3A_8 = vector.broadcast %broadcast_in_dim3A : i32 to vector<16xi32>
    %broadcast_in_dim3A_9 = arith.constant 1 : i32
    %broadcast_in_dim3A_10 = vector.broadcast %broadcast_in_dim3A_9 : i32 to vector<16xi32>
    %broadcast_in_dim3A_11 = arith.constant 2 : i32
    %broadcast_in_dim3A_12 = vector.broadcast %broadcast_in_dim3A_11 : i32 to vector<16xi32>
    %broadcast_in_dim3A_13 = arith.constant 3 : i32
    %broadcast_in_dim3A_14 = vector.broadcast %broadcast_in_dim3A_13 : i32 to vector<16xi32>
    %broadcast_in_dim3A_15 = arith.constant 4 : i32
    %broadcast_in_dim3A_16 = vector.broadcast %broadcast_in_dim3A_15 : i32 to vector<16xi32>
    %broadcast_in_dim3A_17 = arith.constant 5 : i32
    %broadcast_in_dim3A_18 = vector.broadcast %broadcast_in_dim3A_17 : i32 to vector<16xi32>
    %broadcast_in_dim3A_19 = arith.constant 6 : i32
    %broadcast_in_dim3A_20 = vector.broadcast %broadcast_in_dim3A_19 : i32 to vector<16xi32>
    %broadcast_in_dim3A_21 = arith.constant 7 : i32
    %broadcast_in_dim3A_22 = vector.broadcast %broadcast_in_dim3A_21 : i32 to vector<16xi32>
    %broadcast_in_dim3A_23 = arith.constant 8 : i32
    %broadcast_in_dim3A_24 = vector.broadcast %broadcast_in_dim3A_23 : i32 to vector<16xi32>
    %broadcast_in_dim3A_25 = arith.constant 9 : i32
    %broadcast_in_dim3A_26 = vector.broadcast %broadcast_in_dim3A_25 : i32 to vector<16xi32>
    %broadcast_in_dim3A_27 = arith.constant 10 : i32
    %broadcast_in_dim3A_28 = vector.broadcast %broadcast_in_dim3A_27 : i32 to vector<16xi32>
    %broadcast_in_dim3A_29 = arith.constant 11 : i32
    %broadcast_in_dim3A_30 = vector.broadcast %broadcast_in_dim3A_29 : i32 to vector<16xi32>
    %broadcast_in_dim3A_31 = arith.constant 12 : i32
    %broadcast_in_dim3A_32 = vector.broadcast %broadcast_in_dim3A_31 : i32 to vector<16xi32>
    %broadcast_in_dim3A_33 = arith.constant 13 : i32
    %broadcast_in_dim3A_34 = vector.broadcast %broadcast_in_dim3A_33 : i32 to vector<16xi32>
    %broadcast_in_dim3A_35 = arith.constant 14 : i32
    %broadcast_in_dim3A_36 = vector.broadcast %broadcast_in_dim3A_35 : i32 to vector<16xi32>
    %broadcast_in_dim3A_37 = arith.constant 15 : i32
    %broadcast_in_dim3A_38 = vector.broadcast %broadcast_in_dim3A_37 : i32 to vector<16xi32>
    %rem3A = arith.constant 0 : i32
    %rem3A_39 = arith.constant 4 : i32
    %rem3A_40 = arith.remsi %rem3A, %rem3A_39 : i32
    %mul3A_41 = arith.constant 128 : i32
    %mul3A_42 = arith.muli %rem3A_40, %mul3A_41 : i32
    %dma_start3A = arith.constant 0 : i32
    %dma_start3A_43 = tpu.memref_slice %arg8[%mul3A_42, %dma_start3A] : memref<512x16xf32, #tpu.memory_space<vmem>> -> memref<128x16xf32, #tpu.memory_space<vmem>>
    %dma_start3A_44 = arith.constant 0 : i32
    %dma_start3A_45 = tpu.memref_slice %arg6[%dma_start3A_44] : memref<13312xi32, #tpu.memory_space<vmem>> -> memref<128xi32, #tpu.memory_space<vmem>>
    %dma_start3A_46 = arith.constant 0 : i32
    %dma_start3A_47 = arith.constant 0 : i32
    %dma_start3A_48 = tpu.memref_slice %arg3[%dma_start3A_46, %dma_start3A_47] : memref<1040000x16xf32, #tpu.memory_space<hbm>> -> memref<1040000x16xf32, #tpu.memory_space<hbm>>
    tpu.enqueue_indirect_dma source(%dma_start3A_48 : memref<1040000x16xf32, #tpu.memory_space<hbm>>) target(%dma_start3A_43 : memref<128x16xf32, #tpu.memory_space<vmem>>) offsets(%dma_start3A_45 : memref<128xi32, #tpu.memory_space<vmem>>) semaphore(%arg10 : memref<!tpu.dma_semaphore, #tpu.memory_space<semaphore_mem>>)
    %rem3A_49 = arith.constant 1 : i32
    %rem3A_50 = arith.constant 4 : i32
    %rem3A_51 = arith.remsi %rem3A_49, %rem3A_50 : i32
    %mul3A_52 = arith.constant 128 : i32
    %mul3A_53 = arith.muli %rem3A_51, %mul3A_52 : i32
    %dma_start3A_54 = arith.constant 0 : i32
    %dma_start3A_55 = tpu.memref_slice %arg8[%mul3A_53, %dma_start3A_54] : memref<512x16xf32, #tpu.memory_space<vmem>> -> memref<128x16xf32, #tpu.memory_space<vmem>>
    %dma_start3A_56 = arith.constant 128 : i32
    %dma_start3A_57 = tpu.memref_slice %arg6[%dma_start3A_56] : memref<13312xi32, #tpu.memory_space<vmem>> -> memref<128xi32, #tpu.memory_space<vmem>>
    %dma_start3A_58 = arith.constant 0 : i32
    %dma_start3A_59 = arith.constant 0 : i32
    %dma_start3A_60 = tpu.memref_slice %arg3[%dma_start3A_58, %dma_start3A_59] : memref<1040000x16xf32, #tpu.memory_space<hbm>> -> memref<1040000x16xf32, #tpu.memory_space<hbm>>
    tpu.enqueue_indirect_dma source(%dma_start3A_60 : memref<1040000x16xf32, #tpu.memory_space<hbm>>) target(%dma_start3A_55 : memref<128x16xf32, #tpu.memory_space<vmem>>) offsets(%dma_start3A_57 : memref<128xi32, #tpu.memory_space<vmem>>) semaphore(%arg10 : memref<!tpu.dma_semaphore, #tpu.memory_space<semaphore_mem>>)
    %rem3A_61 = arith.constant 2 : i32
    %rem3A_62 = arith.constant 4 : i32
    %rem3A_63 = arith.remsi %rem3A_61, %rem3A_62 : i32
    %mul3A_64 = arith.constant 128 : i32
    %mul3A_65 = arith.muli %rem3A_63, %mul3A_64 : i32
    %dma_start3A_66 = arith.constant 0 : i32
    %dma_start3A_67 = tpu.memref_slice %arg8[%mul3A_65, %dma_start3A_66] : memref<512x16xf32, #tpu.memory_space<vmem>> -> memref<128x16xf32, #tpu.memory_space<vmem>>
    %dma_start3A_68 = arith.constant 256 : i32
    %dma_start3A_69 = tpu.memref_slice %arg6[%dma_start3A_68] : memref<13312xi32, #tpu.memory_space<vmem>> -> memref<128xi32, #tpu.memory_space<vmem>>
    %dma_start3A_70 = arith.constant 0 : i32
    %dma_start3A_71 = arith.constant 0 : i32
    %dma_start3A_72 = tpu.memref_slice %arg3[%dma_start3A_70, %dma_start3A_71] : memref<1040000x16xf32, #tpu.memory_space<hbm>> -> memref<1040000x16xf32, #tpu.memory_space<hbm>>
    tpu.enqueue_indirect_dma source(%dma_start3A_72 : memref<1040000x16xf32, #tpu.memory_space<hbm>>) target(%dma_start3A_67 : memref<128x16xf32, #tpu.memory_space<vmem>>) offsets(%dma_start3A_69 : memref<128xi32, #tpu.memory_space<vmem>>) semaphore(%arg10 : memref<!tpu.dma_semaphore, #tpu.memory_space<semaphore_mem>>)
    %scan3A_73 = arith.constant 0 : i32
    %scan3A_74 = arith.constant 0 : i32
    %scan3A_75 = arith.constant 104 : i32
    %scan3A_76 = arith.addi %scan3A_74, %scan3A_75 : i32
    %scan3A_77 = arith.constant 1 : i32
    scf.for %scan3A_181 = %scan3A_74 to %scan3A_76 step %scan3A_77  : i32 {
      %add3A_182 = arith.constant 3 : i32
      %add3A_183 = arith.addi %scan3A_181, %add3A_182 : i32
      %lt3A = arith.constant 104 : i32
      %lt3A_184 = arith.cmpi slt, %add3A_183, %lt3A : i32
      %convert_element_type3A = arith.extui %lt3A_184 : i1 to i32
      %cond3A = arith.constant 0 : i32
      %cond3A_185 = arith.cmpi ne, %convert_element_type3A, %cond3A : i32
      scf.if %cond3A_185 {
        %add3A_1198 = arith.constant 3 : i32
        %add3A_1199 = arith.addi %scan3A_181, %add3A_1198 : i32
        %mul3A_1200 = arith.constant 128 : i32
        %mul3A_1201 = arith.muli %add3A_1199, %mul3A_1200 : i32
        %rem3A_1202 = arith.constant 4 : i32
        %rem3A_1203 = arith.remsi %add3A_1199, %rem3A_1202 : i32
        %mul3A_1204 = arith.constant 128 : i32
        %mul3A_1205 = arith.muli %rem3A_1203, %mul3A_1204 : i32
        %dma_start3A_1206 = arith.constant 0 : i32
        %dma_start3A_1207 = tpu.memref_slice %arg8[%mul3A_1205, %dma_start3A_1206] : memref<512x16xf32, #tpu.memory_space<vmem>> -> memref<128x16xf32, #tpu.memory_space<vmem>>
        %dma_start3A_1208 = tpu.memref_slice %arg6[%mul3A_1201] : memref<13312xi32, #tpu.memory_space<vmem>> -> memref<128xi32, #tpu.memory_space<vmem>>
        %dma_start3A_1209 = arith.constant 0 : i32
        %dma_start3A_1210 = arith.constant 0 : i32
        %dma_start3A_1211 = tpu.memref_slice %arg3[%dma_start3A_1209, %dma_start3A_1210] : memref<1040000x16xf32, #tpu.memory_space<hbm>> -> memref<1040000x16xf32, #tpu.memory_space<hbm>>
        tpu.enqueue_indirect_dma source(%dma_start3A_1211 : memref<1040000x16xf32, #tpu.memory_space<hbm>>) target(%dma_start3A_1207 : memref<128x16xf32, #tpu.memory_space<vmem>>) offsets(%dma_start3A_1208 : memref<128xi32, #tpu.memory_space<vmem>>) semaphore(%arg10 : memref<!tpu.dma_semaphore, #tpu.memory_space<semaphore_mem>>)
      } else {
      }
      %ge3A = arith.constant 2 : i32
      %ge3A_186 = arith.cmpi sge, %scan3A_181, %ge3A : i32
      %convert_element_type3A_187 = arith.extui %ge3A_186 : i1 to i32
      %cond3A_188 = arith.constant 0 : i32
      %cond3A_189 = arith.cmpi ne, %convert_element_type3A_187, %cond3A_188 : i32
      scf.if %cond3A_189 {
        %rem3A_1198 = arith.constant 2 : i32
        %rem3A_1199 = arith.remsi %scan3A_181, %rem3A_1198 : i32
        %mul3A_1200 = arith.constant 2048 : i32
        %mul3A_1201 = arith.muli %rem3A_1199, %mul3A_1200 : i32
        %add3A_1202 = arith.constant 0 : i32
        %add3A_1203 = arith.addi %mul3A_1201, %add3A_1202 : i32
        %mul3A_1204 = arith.constant 128 : i32
        %mul3A_1205 = arith.muli %scan3A_181, %mul3A_1204 : i32
        %add3A_1206 = arith.addi %mul3A_2, %mul3A_1205 : i32
        %shift_right_logical3A_1207 = arith.constant 14 : i32
        %shift_right_logical3A_1208 = arith.shrui %add3A_1206, %shift_right_logical3A_1207 : i32
        %rem3A_1209 = arith.constant 16384 : i32
        %rem3A_1210 = arith.remsi %add3A_1206, %rem3A_1209 : i32
        %shift_right_logical3A_1211 = arith.constant 7 : i32
        %shift_right_logical3A_1212 = arith.shrui %rem3A_1210, %shift_right_logical3A_1211 : i32
        %mul3A_1213 = arith.constant 262144 : i32
        %mul3A_1214 = arith.muli %shift_right_logical3A_1208, %mul3A_1213 : i32
        %add3A_1215 = arith.constant 0 : i32
        %add3A_1216 = arith.addi %mul3A_1214, %add3A_1215 : i32
        %mul3A_1217 = arith.constant 1024 : i32
        %mul3A_1218 = arith.muli %shift_right_logical3A_1212, %mul3A_1217 : i32
        %add3A_1219 = arith.addi %add3A_1216, %mul3A_1218 : i32
        %dma_wait3A_1220 = tpu.memref_slice %arg9[%add3A_1203] : memref<4096xf32, #tpu.memory_space<vmem>> -> memref<1024xf32, #tpu.memory_space<vmem>>
        %dma_wait3A_1221 = tpu.memref_slice %arg5[%add3A_1219] : memref<6815744xf32, #tpu.memory_space<hbm>> -> memref<1024xf32, #tpu.memory_space<hbm>>
        %dma_wait3A_1222 = tpu.memref_slice %arg5[%add3A_1219] : memref<6815744xf32, #tpu.memory_space<hbm>> -> memref<1024xf32, #tpu.memory_space<hbm>>
        %dma_wait3A_1223 = tpu.memref_slice %arg9[%add3A_1203] : memref<4096xf32, #tpu.memory_space<vmem>> -> memref<1024xf32, #tpu.memory_space<vmem>>
        tpu.wait_dma2 semaphore(%arg11 : memref<!tpu.dma_semaphore, #tpu.memory_space<semaphore_mem>>) src(%dma_wait3A_1223 : memref<1024xf32, #tpu.memory_space<vmem>>) dst(%dma_wait3A_1222 : memref<1024xf32, #tpu.memory_space<hbm>>)
        %rem3A_1224 = arith.constant 2 : i32
        %rem3A_1225 = arith.remsi %scan3A_181, %rem3A_1224 : i32
        %mul3A_1226 = arith.constant 2048 : i32
        %mul3A_1227 = arith.muli %rem3A_1225, %mul3A_1226 : i32
        %add3A_1228 = arith.constant 1024 : i32
        %add3A_1229 = arith.addi %mul3A_1227, %add3A_1228 : i32
        %mul3A_1230 = arith.constant 128 : i32
        %mul3A_1231 = arith.muli %scan3A_181, %mul3A_1230 : i32
        %add3A_1232 = arith.addi %mul3A_2, %mul3A_1231 : i32
        %shift_right_logical3A_1233 = arith.constant 14 : i32
        %shift_right_logical3A_1234 = arith.shrui %add3A_1232, %shift_right_logical3A_1233 : i32
        %rem3A_1235 = arith.constant 16384 : i32
        %rem3A_1236 = arith.remsi %add3A_1232, %rem3A_1235 : i32
        %shift_right_logical3A_1237 = arith.constant 7 : i32
        %shift_right_logical3A_1238 = arith.shrui %rem3A_1236, %shift_right_logical3A_1237 : i32
        %mul3A_1239 = arith.constant 262144 : i32
        %mul3A_1240 = arith.muli %shift_right_logical3A_1234, %mul3A_1239 : i32
        %add3A_1241 = arith.constant 131072 : i32
        %add3A_1242 = arith.addi %mul3A_1240, %add3A_1241 : i32
        %mul3A_1243 = arith.constant 1024 : i32
        %mul3A_1244 = arith.muli %shift_right_logical3A_1238, %mul3A_1243 : i32
        %add3A_1245 = arith.addi %add3A_1242, %mul3A_1244 : i32
        %dma_wait3A_1246 = tpu.memref_slice %arg9[%add3A_1229] : memref<4096xf32, #tpu.memory_space<vmem>> -> memref<1024xf32, #tpu.memory_space<vmem>>
        %dma_wait3A_1247 = tpu.memref_slice %arg5[%add3A_1245] : memref<6815744xf32, #tpu.memory_space<hbm>> -> memref<1024xf32, #tpu.memory_space<hbm>>
        %dma_wait3A_1248 = tpu.memref_slice %arg5[%add3A_1245] : memref<6815744xf32, #tpu.memory_space<hbm>> -> memref<1024xf32, #tpu.memory_space<hbm>>
        %dma_wait3A_1249 = tpu.memref_slice %arg9[%add3A_1229] : memref<4096xf32, #tpu.memory_space<vmem>> -> memref<1024xf32, #tpu.memory_space<vmem>>
        tpu.wait_dma2 semaphore(%arg11 : memref<!tpu.dma_semaphore, #tpu.memory_space<semaphore_mem>>) src(%dma_wait3A_1249 : memref<1024xf32, #tpu.memory_space<vmem>>) dst(%dma_wait3A_1248 : memref<1024xf32, #tpu.memory_space<hbm>>)
      } else {
      }
      %rem3A_190 = arith.constant 4 : i32
      %rem3A_191 = arith.remsi %scan3A_181, %rem3A_190 : i32
      %mul3A_192 = arith.constant 128 : i32
      %mul3A_193 = arith.muli %rem3A_191, %mul3A_192 : i32
      %dma_wait3A_194 = arith.constant 0 : i32
      %dma_wait3A_195 = tpu.memref_slice %arg8[%mul3A_193, %dma_wait3A_194] : memref<512x16xf32, #tpu.memory_space<vmem>> -> memref<128x16xf32, #tpu.memory_space<vmem>>
      %dma_wait3A_196 = arith.constant 0 : i32
      %dma_wait3A_197 = arith.constant 0 : i32
      %dma_wait3A_198 = tpu.memref_slice %arg3[%dma_wait3A_196, %dma_wait3A_197] : memref<1040000x16xf32, #tpu.memory_space<hbm>> -> memref<128x16xf32, #tpu.memory_space<hbm>>
      %dma_wait3A_199 = arith.constant 0 : i32
      %dma_wait3A_200 = tpu.memref_slice %arg8[%mul3A_193, %dma_wait3A_199] : memref<512x16xf32, #tpu.memory_space<vmem>> -> memref<128x16xf32, #tpu.memory_space<vmem>>
      %dma_wait3A_201 = arith.constant 0 : i32
      %dma_wait3A_202 = arith.constant 0 : i32
      %dma_wait3A_203 = tpu.memref_slice %arg3[%dma_wait3A_201, %dma_wait3A_202] : memref<1040000x16xf32, #tpu.memory_space<hbm>> -> memref<128x16xf32, #tpu.memory_space<hbm>>
      tpu.wait_dma2 semaphore(%arg10 : memref<!tpu.dma_semaphore, #tpu.memory_space<semaphore_mem>>) src(%dma_wait3A_203 : memref<128x16xf32, #tpu.memory_space<hbm>>) dst(%dma_wait3A_200 : memref<128x16xf32, #tpu.memory_space<vmem>>)
      %rem3A_204 = arith.constant 4 : i32
      %rem3A_205 = arith.remsi %scan3A_181, %rem3A_204 : i32
      %mul3A_206 = arith.constant 128 : i32
      %mul3A_207 = arith.muli %rem3A_205, %mul3A_206 : i32
      %rem3A_208 = arith.constant 2 : i32
      %rem3A_209 = arith.remsi %scan3A_181, %rem3A_208 : i32
      %mul3A_210 = arith.constant 2048 : i32
      %mul3A_211 = arith.muli %rem3A_209, %mul3A_210 : i32
      %add3A_212 = arith.constant 0 : i32
      %add3A_213 = vector.broadcast %add3A_212 : i32 to vector<16xi32>
      %add3A_214 = arith.addi %iota3A, %add3A_213 : vector<16xi32>
      %add3A_215 = arith.constant 0 : i32
      %add3A_216 = arith.addi %mul3A_211, %add3A_215 : i32
      %gather3A = arith.constant 0 : i32
      %gather3A_217 = tpu.memref_slice %arg8[%mul3A_207, %gather3A] : memref<512x16xf32, #tpu.memory_space<vmem>> -> memref<128x16xf32, #tpu.memory_space<vmem>>
      %gather3A_218 = tpu.vector_load_idx %gather3A_217[%add3A_214, %broadcast_in_dim3A_8] : memref<128x16xf32, #tpu.memory_space<vmem>>[vector<16xi32>, vector<16xi32>], vector<16xf32>,
      %add3A_219 = arith.constant 0 : i32
      %add3A_220 = arith.addi %add3A_216, %add3A_219 : i32
      %swap3A = arith.index_cast %add3A_220 : i32 to index
      %swap3A_221 = tpu.vector_load %arg9[%swap3A] {strides = array<i32>} : memref<4096xf32, #tpu.memory_space<vmem>>, vector<16xf32>,
      tpu.vector_store %arg9[%swap3A], %gather3A_218 {strides = array<i32>} : memref<4096xf32, #tpu.memory_space<vmem>>, vector<16xf32>,
      %gather3A_222 = arith.constant 0 : i32
      %gather3A_223 = tpu.memref_slice %arg8[%mul3A_207, %gather3A_222] : memref<512x16xf32, #tpu.memory_space<vmem>> -> memref<128x16xf32, #tpu.memory_space<vmem>>
      %gather3A_224 = tpu.vector_load_idx %gather3A_223[%add3A_214, %broadcast_in_dim3A_10] : memref<128x16xf32, #tpu.memory_space<vmem>>[vector<16xi32>, vector<16xi32>], vector<16xf32>,
      %add3A_225 = arith.constant 128 : i32
      %add3A_226 = arith.addi %add3A_216, %add3A_225 : i32
      %swap3A_227 = arith.index_cast %add3A_226 : i32 to index
      %swap3A_228 = tpu.vector_load %arg9[%swap3A_227] {strides = array<i32>} : memref<4096xf32, #tpu.memory_space<vmem>>, vector<16xf32>,
      tpu.vector_store %arg9[%swap3A_227], %gather3A_224 {strides = array<i32>} : memref<4096xf32, #tpu.memory_space<vmem>>, vector<16xf32>,
      %gather3A_229 = arith.constant 0 : i32
      %gather3A_230 = tpu.memref_slice %arg8[%mul3A_207, %gather3A_229] : memref<512x16xf32, #tpu.memory_space<vmem>> -> memref<128x16xf32, #tpu.memory_space<vmem>>
      %gather3A_231 = tpu.vector_load_idx %gather3A_230[%add3A_214, %broadcast_in_dim3A_12] : memref<128x16xf32, #tpu.memory_space<vmem>>[vector<16xi32>, vector<16xi32>], vector<16xf32>,
      %add3A_232 = arith.constant 256 : i32
      %add3A_233 = arith.addi %add3A_216, %add3A_232 : i32
      %swap3A_234 = arith.index_cast %add3A_233 : i32 to index
      %swap3A_235 = tpu.vector_load %arg9[%swap3A_234] {strides = array<i32>} : memref<4096xf32, #tpu.memory_space<vmem>>, vector<16xf32>,
      tpu.vector_store %arg9[%swap3A_234], %gather3A_231 {strides = array<i32>} : memref<4096xf32, #tpu.memory_space<vmem>>, vector<16xf32>,
      %gather3A_236 = arith.constant 0 : i32
      %gather3A_237 = tpu.memref_slice %arg8[%mul3A_207, %gather3A_236] : memref<512x16xf32, #tpu.memory_space<vmem>> -> memref<128x16xf32, #tpu.memory_space<vmem>>
      %gather3A_238 = tpu.vector_load_idx %gather3A_237[%add3A_214, %broadcast_in_dim3A_14] : memref<128x16xf32, #tpu.memory_space<vmem>>[vector<16xi32>, vector<16xi32>], vector<16xf32>,
      %add3A_239 = arith.constant 384 : i32
      %add3A_240 = arith.addi %add3A_216, %add3A_239 : i32
      %swap3A_241 = arith.index_cast %add3A_240 : i32 to index
      %swap3A_242 = tpu.vector_load %arg9[%swap3A_241] {strides = array<i32>} : memref<4096xf32, #tpu.memory_space<vmem>>, vector<16xf32>,
      tpu.vector_store %arg9[%swap3A_241], %gather3A_238 {strides = array<i32>} : memref<4096xf32, #tpu.memory_space<vmem>>, vector<16xf32>,
      %gather3A_243 = arith.constant 0 : i32
      %gather3A_244 = tpu.memref_slice %arg8[%mul3A_207, %gather3A_243] : memref<512x16xf32, #tpu.memory_space<vmem>> -> memref<128x16xf32, #tpu.memory_space<vmem>>
      %gather3A_245 = tpu.vector_load_idx %gather3A_244[%add3A_214, %broadcast_in_dim3A_16] : memref<128x16xf32, #tpu.memory_space<vmem>>[vector<16xi32>, vector<16xi32>], vector<16xf32>,
      %add3A_246 = arith.constant 512 : i32
      %add3A_247 = arith.addi %add3A_216, %add3A_246 : i32
      %swap3A_248 = arith.index_cast %add3A_247 : i32 to index
      %swap3A_249 = tpu.vector_load %arg9[%swap3A_248] {strides = array<i32>} : memref<4096xf32, #tpu.memory_space<vmem>>, vector<16xf32>,
      tpu.vector_store %arg9[%swap3A_248], %gather3A_245 {strides = array<i32>} : memref<4096xf32, #tpu.memory_space<vmem>>, vector<16xf32>,
      %gather3A_250 = arith.constant 0 : i32
      %gather3A_251 = tpu.memref_slice %arg8[%mul3A_207, %gather3A_250] : memref<512x16xf32, #tpu.memory_space<vmem>> -> memref<128x16xf32, #tpu.memory_space<vmem>>
      %gather3A_252 = tpu.vector_load_idx %gather3A_251[%add3A_214, %broadcast_in_dim3A_18] : memref<128x16xf32, #tpu.memory_space<vmem>>[vector<16xi32>, vector<16xi32>], vector<16xf32>,
      %add3A_253 = arith.constant 640 : i32
      %add3A_254 = arith.addi %add3A_216, %add3A_253 : i32
      %swap3A_255 = arith.index_cast %add3A_254 : i32 to index
      %swap3A_256 = tpu.vector_load %arg9[%swap3A_255] {strides = array<i32>} : memref<4096xf32, #tpu.memory_space<vmem>>, vector<16xf32>,
      tpu.vector_store %arg9[%swap3A_255], %gather3A_252 {strides = array<i32>} : memref<4096xf32, #tpu.memory_space<vmem>>, vector<16xf32>,
      %gather3A_257 = arith.constant 0 : i32
      %gather3A_258 = tpu.memref_slice %arg8[%mul3A_207, %gather3A_257] : memref<512x16xf32, #tpu.memory_space<vmem>> -> memref<128x16xf32, #tpu.memory_space<vmem>>
      %gather3A_259 = tpu.vector_load_idx %gather3A_258[%add3A_214, %broadcast_in_dim3A_20] : memref<128x16xf32, #tpu.memory_space<vmem>>[vector<16xi32>, vector<16xi32>], vector<16xf32>,
      %add3A_260 = arith.constant 768 : i32
      %add3A_261 = arith.addi %add3A_216, %add3A_260 : i32
      %swap3A_262 = arith.index_cast %add3A_261 : i32 to index
      %swap3A_263 = tpu.vector_load %arg9[%swap3A_262] {strides = array<i32>} : memref<4096xf32, #tpu.memory_space<vmem>>, vector<16xf32>,
      tpu.vector_store %arg9[%swap3A_262], %gather3A_259 {strides = array<i32>} : memref<4096xf32, #tpu.memory_space<vmem>>, vector<16xf32>,
      %gather3A_264 = arith.constant 0 : i32
      %gather3A_265 = tpu.memref_slice %arg8[%mul3A_207, %gather3A_264] : memref<512x16xf32, #tpu.memory_space<vmem>> -> memref<128x16xf32, #tpu.memory_space<vmem>>
      %gather3A_266 = tpu.vector_load_idx %gather3A_265[%add3A_214, %broadcast_in_dim3A_22] : memref<128x16xf32, #tpu.memory_space<vmem>>[vector<16xi32>, vector<16xi32>], vector<16xf32>,
      %add3A_267 = arith.constant 896 : i32
      %add3A_268 = arith.addi %add3A_216, %add3A_267 : i32
      %swap3A_269 = arith.index_cast %add3A_268 : i32 to index
      %swap3A_270 = tpu.vector_load %arg9[%swap3A_269] {strides = array<i32>} : memref<4096xf32, #tpu.memory_space<vmem>>, vector<16xf32>,
      tpu.vector_store %arg9[%swap3A_269], %gather3A_266 {strides = array<i32>} : memref<4096xf32, #tpu.memory_space<vmem>>, vector<16xf32>,
      %gather3A_271 = arith.constant 0 : i32
      %gather3A_272 = tpu.memref_slice %arg8[%mul3A_207, %gather3A_271] : memref<512x16xf32, #tpu.memory_space<vmem>> -> memref<128x16xf32, #tpu.memory_space<vmem>>
      %gather3A_273 = tpu.vector_load_idx %gather3A_272[%add3A_214, %broadcast_in_dim3A_24] : memref<128x16xf32, #tpu.memory_space<vmem>>[vector<16xi32>, vector<16xi32>], vector<16xf32>,
      %add3A_274 = arith.constant 1024 : i32
      %add3A_275 = arith.addi %add3A_216, %add3A_274 : i32
      %swap3A_276 = arith.index_cast %add3A_275 : i32 to index
      %swap3A_277 = tpu.vector_load %arg9[%swap3A_276] {strides = array<i32>} : memref<4096xf32, #tpu.memory_space<vmem>>, vector<16xf32>,
      tpu.vector_store %arg9[%swap3A_276], %gather3A_273 {strides = array<i32>} : memref<4096xf32, #tpu.memory_space<vmem>>, vector<16xf32>,
      %gather3A_278 = arith.constant 0 : i32
      %gather3A_279 = tpu.memref_slice %arg8[%mul3A_207, %gather3A_278] : memref<512x16xf32, #tpu.memory_space<vmem>> -> memref<128x16xf32, #tpu.memory_space<vmem>>
      %gather3A_280 = tpu.vector_load_idx %gather3A_279[%add3A_214, %broadcast_in_dim3A_26] : memref<128x16xf32, #tpu.memory_space<vmem>>[vector<16xi32>, vector<16xi32>], vector<16xf32>,
      %add3A_281 = arith.constant 1152 : i32
      %add3A_282 = arith.addi %add3A_216, %add3A_281 : i32
      %swap3A_283 = arith.index_cast %add3A_282 : i32 to index
      %swap3A_284 = tpu.vector_load %arg9[%swap3A_283] {strides = array<i32>} : memref<4096xf32, #tpu.memory_space<vmem>>, vector<16xf32>,
      tpu.vector_store %arg9[%swap3A_283], %gather3A_280 {strides = array<i32>} : memref<4096xf32, #tpu.memory_space<vmem>>, vector<16xf32>,
      %gather3A_285 = arith.constant 0 : i32
      %gather3A_286 = tpu.memref_slice %arg8[%mul3A_207, %gather3A_285] : memref<512x16xf32, #tpu.memory_space<vmem>> -> memref<128x16xf32, #tpu.memory_space<vmem>>
      %gather3A_287 = tpu.vector_load_idx %gather3A_286[%add3A_214, %broadcast_in_dim3A_28] : memref<128x16xf32, #tpu.memory_space<vmem>>[vector<16xi32>, vector<16xi32>], vector<16xf32>,
      %add3A_288 = arith.constant 1280 : i32
      %add3A_289 = arith.addi %add3A_216, %add3A_288 : i32
      %swap3A_290 = arith.index_cast %add3A_289 : i32 to index
      %swap3A_291 = tpu.vector_load %arg9[%swap3A_290] {strides = array<i32>} : memref<4096xf32, #tpu.memory_space<vmem>>, vector<16xf32>,
      tpu.vector_store %arg9[%swap3A_290], %gather3A_287 {strides = array<i32>} : memref<4096xf32, #tpu.memory_space<vmem>>, vector<16xf32>,
      %gather3A_292 = arith.constant 0 : i32
      %gather3A_293 = tpu.memref_slice %arg8[%mul3A_207, %gather3A_292] : memref<512x16xf32, #tpu.memory_space<vmem>> -> memref<128x16xf32, #tpu.memory_space<vmem>>
      %gather3A_294 = tpu.vector_load_idx %gather3A_293[%add3A_214, %broadcast_in_dim3A_30] : memref<128x16xf32, #tpu.memory_space<vmem>>[vector<16xi32>, vector<16xi32>], vector<16xf32>,
      %add3A_295 = arith.constant 1408 : i32
      %add3A_296 = arith.addi %add3A_216, %add3A_295 : i32
      %swap3A_297 = arith.index_cast %add3A_296 : i32 to index
      %swap3A_298 = tpu.vector_load %arg9[%swap3A_297] {strides = array<i32>} : memref<4096xf32, #tpu.memory_space<vmem>>, vector<16xf32>,
      tpu.vector_store %arg9[%swap3A_297], %gather3A_294 {strides = array<i32>} : memref<4096xf32, #tpu.memory_space<vmem>>, vector<16xf32>,
      %gather3A_299 = arith.constant 0 : i32
      %gather3A_300 = tpu.memref_slice %arg8[%mul3A_207, %gather3A_299] : memref<512x16xf32, #tpu.memory_space<vmem>> -> memref<128x16xf32, #tpu.memory_space<vmem>>
      %gather3A_301 = tpu.vector_load_idx %gather3A_300[%add3A_214, %broadcast_in_dim3A_32] : memref<128x16xf32, #tpu.memory_space<vmem>>[vector<16xi32>, vector<16xi32>], vector<16xf32>,
      %add3A_302 = arith.constant 1536 : i32
      %add3A_303 = arith.addi %add3A_216, %add3A_302 : i32
      %swap3A_304 = arith.index_cast %add3A_303 : i32 to index
      %swap3A_305 = tpu.vector_load %arg9[%swap3A_304] {strides = array<i32>} : memref<4096xf32, #tpu.memory_space<vmem>>, vector<16xf32>,
      tpu.vector_store %arg9[%swap3A_304], %gather3A_301 {strides = array<i32>} : memref<4096xf32, #tpu.memory_space<vmem>>, vector<16xf32>,
      %gather3A_306 = arith.constant 0 : i32
      %gather3A_307 = tpu.memref_slice %arg8[%mul3A_207, %gather3A_306] : memref<512x16xf32, #tpu.memory_space<vmem>> -> memref<128x16xf32, #tpu.memory_space<vmem>>
      %gather3A_308 = tpu.vector_load_idx %gather3A_307[%add3A_214, %broadcast_in_dim3A_34] : memref<128x16xf32, #tpu.memory_space<vmem>>[vector<16xi32>, vector<16xi32>], vector<16xf32>,
      %add3A_309 = arith.constant 1664 : i32
      %add3A_310 = arith.addi %add3A_216, %add3A_309 : i32
      %swap3A_311 = arith.index_cast %add3A_310 : i32 to index
      %swap3A_312 = tpu.vector_load %arg9[%swap3A_311] {strides = array<i32>} : memref<4096xf32, #tpu.memory_space<vmem>>, vector<16xf32>,
      tpu.vector_store %arg9[%swap3A_311], %gather3A_308 {strides = array<i32>} : memref<4096xf32, #tpu.memory_space<vmem>>, vector<16xf32>,
      %gather3A_313 = arith.constant 0 : i32
      %gather3A_314 = tpu.memref_slice %arg8[%mul3A_207, %gather3A_313] : memref<512x16xf32, #tpu.memory_space<vmem>> -> memref<128x16xf32, #tpu.memory_space<vmem>>
      %gather3A_315 = tpu.vector_load_idx %gather3A_314[%add3A_214, %broadcast_in_dim3A_36] : memref<128x16xf32, #tpu.memory_space<vmem>>[vector<16xi32>, vector<16xi32>], vector<16xf32>,
      %add3A_316 = arith.constant 1792 : i32
      %add3A_317 = arith.addi %add3A_216, %add3A_316 : i32
      %swap3A_318 = arith.index_cast %add3A_317 : i32 to index
      %swap3A_319 = tpu.vector_load %arg9[%swap3A_318] {strides = array<i32>} : memref<4096xf32, #tpu.memory_space<vmem>>, vector<16xf32>,
      tpu.vector_store %arg9[%swap3A_318], %gather3A_315 {strides = array<i32>} : memref<4096xf32, #tpu.memory_space<vmem>>, vector<16xf32>,
      %gather3A_320 = arith.constant 0 : i32
      %gather3A_321 = tpu.memref_slice %arg8[%mul3A_207, %gather3A_320] : memref<512x16xf32, #tpu.memory_space<vmem>> -> memref<128x16xf32, #tpu.memory_space<vmem>>
      %gather3A_322 = tpu.vector_load_idx %gather3A_321[%add3A_214, %broadcast_in_dim3A_38] : memref<128x16xf32, #tpu.memory_space<vmem>>[vector<16xi32>, vector<16xi32>], vector<16xf32>,
      %add3A_323 = arith.constant 1920 : i32
      %add3A_324 = arith.addi %add3A_216, %add3A_323 : i32
      %swap3A_325 = arith.index_cast %add3A_324 : i32 to index
      %swap3A_326 = tpu.vector_load %arg9[%swap3A_325] {strides = array<i32>} : memref<4096xf32, #tpu.memory_space<vmem>>, vector<16xf32>,
      tpu.vector_store %arg9[%swap3A_325], %gather3A_322 {strides = array<i32>} : memref<4096xf32, #tpu.memory_space<vmem>>, vector<16xf32>,
      %add3A_327 = arith.constant 16 : i32
      %add3A_328 = vector.broadcast %add3A_327 : i32 to vector<16xi32>
      %add3A_329 = arith.addi %iota3A, %add3A_328 : vector<16xi32>
      %add3A_330 = arith.constant 16 : i32
      %add3A_331 = arith.addi %mul3A_211, %add3A_330 : i32
      %gather3A_332 = arith.constant 0 : i32
      %gather3A_333 = tpu.memref_slice %arg8[%mul3A_207, %gather3A_332] : memref<512x16xf32, #tpu.memory_space<vmem>> -> memref<128x16xf32, #tpu.memory_space<vmem>>
      %gather3A_334 = tpu.vector_load_idx %gather3A_333[%add3A_329, %broadcast_in_dim3A_8] : memref<128x16xf32, #tpu.memory_space<vmem>>[vector<16xi32>, vector<16xi32>], vector<16xf32>,
      %add3A_335 = arith.constant 0 : i32
      %add3A_336 = arith.addi %add3A_331, %add3A_335 : i32
      %swap3A_337 = arith.index_cast %add3A_336 : i32 to index
      %swap3A_338 = tpu.vector_load %arg9[%swap3A_337] {strides = array<i32>} : memref<4096xf32, #tpu.memory_space<vmem>>, vector<16xf32>,
      tpu.vector_store %arg9[%swap3A_337], %gather3A_334 {strides = array<i32>} : memref<4096xf32, #tpu.memory_space<vmem>>, vector<16xf32>,
      %gather3A_339 = arith.constant 0 : i32
      %gather3A_340 = tpu.memref_slice %arg8[%mul3A_207, %gather3A_339] : memref<512x16xf32, #tpu.memory_space<vmem>> -> memref<128x16xf32, #tpu.memory_space<vmem>>
      %gather3A_341 = tpu.vector_load_idx %gather3A_340[%add3A_329, %broadcast_in_dim3A_10] : memref<128x16xf32, #tpu.memory_space<vmem>>[vector<16xi32>, vector<16xi32>], vector<16xf32>,
      %add3A_342 = arith.constant 128 : i32
      %add3A_343 = arith.addi %add3A_331, %add3A_342 : i32
      %swap3A_344 = arith.index_cast %add3A_343 : i32 to index
      %swap3A_345 = tpu.vector_load %arg9[%swap3A_344] {strides = array<i32>} : memref<4096xf32, #tpu.memory_space<vmem>>, vector<16xf32>,
      tpu.vector_store %arg9[%swap3A_344], %gather3A_341 {strides = array<i32>} : memref<4096xf32, #tpu.memory_space<vmem>>, vector<16xf32>,
      %gather3A_346 = arith.constant 0 : i32
      %gather3A_347 = tpu.memref_slice %arg8[%mul3A_207, %gather3A_346] : memref<512x16xf32, #tpu.memory_space<vmem>> -> memref<128x16xf32, #tpu.memory_space<vmem>>
      %gather3A_348 = tpu.vector_load_idx %gather3A_347[%add3A_329, %broadcast_in_dim3A_12] : memref<128x16xf32, #tpu.memory_space<vmem>>[vector<16xi32>, vector<16xi32>], vector<16xf32>,
      %add3A_349 = arith.constant 256 : i32
      %add3A_350 = arith.addi %add3A_331, %add3A_349 : i32
      %swap3A_351 = arith.index_cast %add3A_350 : i32 to index
      %swap3A_352 = tpu.vector_load %arg9[%swap3A_351] {strides = array<i32>} : memref<4096xf32, #tpu.memory_space<vmem>>, vector<16xf32>,
      tpu.vector_store %arg9[%swap3A_351], %gather3A_348 {strides = array<i32>} : memref<4096xf32, #tpu.memory_space<vmem>>, vector<16xf32>,
      %gather3A_353 = arith.constant 0 : i32
      %gather3A_354 = tpu.memref_slice %arg8[%mul3A_207, %gather3A_353] : memref<512x16xf32, #tpu.memory_space<vmem>> -> memref<128x16xf32, #tpu.memory_space<vmem>>
      %gather3A_355 = tpu.vector_load_idx %gather3A_354[%add3A_329, %broadcast_in_dim3A_14] : memref<128x16xf32, #tpu.memory_space<vmem>>[vector<16xi32>, vector<16xi32>], vector<16xf32>,
      %add3A_356 = arith.constant 384 : i32
      %add3A_357 = arith.addi %add3A_331, %add3A_356 : i32
      %swap3A_358 = arith.index_cast %add3A_357 : i32 to index
      %swap3A_359 = tpu.vector_load %arg9[%swap3A_358] {strides = array<i32>} : memref<4096xf32, #tpu.memory_space<vmem>>, vector<16xf32>,
      tpu.vector_store %arg9[%swap3A_358], %gather3A_355 {strides = array<i32>} : memref<4096xf32, #tpu.memory_space<vmem>>, vector<16xf32>,
      %gather3A_360 = arith.constant 0 : i32
      %gather3A_361 = tpu.memref_slice %arg8[%mul3A_207, %gather3A_360] : memref<512x16xf32, #tpu.memory_space<vmem>> -> memref<128x16xf32, #tpu.memory_space<vmem>>
      %gather3A_362 = tpu.vector_load_idx %gather3A_361[%add3A_329, %broadcast_in_dim3A_16] : memref<128x16xf32, #tpu.memory_space<vmem>>[vector<16xi32>, vector<16xi32>], vector<16xf32>,
      %add3A_363 = arith.constant 512 : i32
      %add3A_364 = arith.addi %add3A_331, %add3A_363 : i32
      %swap3A_365 = arith.index_cast %add3A_364 : i32 to index
      %swap3A_366 = tpu.vector_load %arg9[%swap3A_365] {strides = array<i32>} : memref<4096xf32, #tpu.memory_space<vmem>>, vector<16xf32>,
      tpu.vector_store %arg9[%swap3A_365], %gather3A_362 {strides = array<i32>} : memref<4096xf32, #tpu.memory_space<vmem>>, vector<16xf32>,
      %gather3A_367 = arith.constant 0 : i32
      %gather3A_368 = tpu.memref_slice %arg8[%mul3A_207, %gather3A_367] : memref<512x16xf32, #tpu.memory_space<vmem>> -> memref<128x16xf32, #tpu.memory_space<vmem>>
      %gather3A_369 = tpu.vector_load_idx %gather3A_368[%add3A_329, %broadcast_in_dim3A_18] : memref<128x16xf32, #tpu.memory_space<vmem>>[vector<16xi32>, vector<16xi32>], vector<16xf32>,
      %add3A_370 = arith.constant 640 : i32
      %add3A_371 = arith.addi %add3A_331, %add3A_370 : i32
      %swap3A_372 = arith.index_cast %add3A_371 : i32 to index
      %swap3A_373 = tpu.vector_load %arg9[%swap3A_372] {strides = array<i32>} : memref<4096xf32, #tpu.memory_space<vmem>>, vector<16xf32>,
      tpu.vector_store %arg9[%swap3A_372], %gather3A_369 {strides = array<i32>} : memref<4096xf32, #tpu.memory_space<vmem>>, vector<16xf32>,
      %gather3A_374 = arith.constant 0 : i32
      %gather3A_375 = tpu.memref_slice %arg8[%mul3A_207, %gather3A_374] : memref<512x16xf32, #tpu.memory_space<vmem>> -> memref<128x16xf32, #tpu.memory_space<vmem>>
      %gather3A_376 = tpu.vector_load_idx %gather3A_375[%add3A_329, %broadcast_in_dim3A_20] : memref<128x16xf32, #tpu.memory_space<vmem>>[vector<16xi32>, vector<16xi32>], vector<16xf32>,
      %add3A_377 = arith.constant 768 : i32
      %add3A_378 = arith.addi %add3A_331, %add3A_377 : i32
      %swap3A_379 = arith.index_cast %add3A_378 : i32 to index
      %swap3A_380 = tpu.vector_load %arg9[%swap3A_379] {strides = array<i32>} : memref<4096xf32, #tpu.memory_space<vmem>>, vector<16xf32>,
      tpu.vector_store %arg9[%swap3A_379], %gather3A_376 {strides = array<i32>} : memref<4096xf32, #tpu.memory_space<vmem>>, vector<16xf32>,
      %gather3A_381 = arith.constant 0 : i32
      %gather3A_382 = tpu.memref_slice %arg8[%mul3A_207, %gather3A_381] : memref<512x16xf32, #tpu.memory_space<vmem>> -> memref<128x16xf32, #tpu.memory_space<vmem>>
      %gather3A_383 = tpu.vector_load_idx %gather3A_382[%add3A_329, %broadcast_in_dim3A_22] : memref<128x16xf32, #tpu.memory_space<vmem>>[vector<16xi32>, vector<16xi32>], vector<16xf32>,
      %add3A_384 = arith.constant 896 : i32
      %add3A_385 = arith.addi %add3A_331, %add3A_384 : i32
      %swap3A_386 = arith.index_cast %add3A_385 : i32 to index
      %swap3A_387 = tpu.vector_load %arg9[%swap3A_386] {strides = array<i32>} : memref<4096xf32, #tpu.memory_space<vmem>>, vector<16xf32>,
      tpu.vector_store %arg9[%swap3A_386], %gather3A_383 {strides = array<i32>} : memref<4096xf32, #tpu.memory_space<vmem>>, vector<16xf32>,
      %gather3A_388 = arith.constant 0 : i32
      %gather3A_389 = tpu.memref_slice %arg8[%mul3A_207, %gather3A_388] : memref<512x16xf32, #tpu.memory_space<vmem>> -> memref<128x16xf32, #tpu.memory_space<vmem>>
      %gather3A_390 = tpu.vector_load_idx %gather3A_389[%add3A_329, %broadcast_in_dim3A_24] : memref<128x16xf32, #tpu.memory_space<vmem>>[vector<16xi32>, vector<16xi32>], vector<16xf32>,
      %add3A_391 = arith.constant 1024 : i32
      %add3A_392 = arith.addi %add3A_331, %add3A_391 : i32
      %swap3A_393 = arith.index_cast %add3A_392 : i32 to index
      %swap3A_394 = tpu.vector_load %arg9[%swap3A_393] {strides = array<i32>} : memref<4096xf32, #tpu.memory_space<vmem>>, vector<16xf32>,
      tpu.vector_store %arg9[%swap3A_393], %gather3A_390 {strides = array<i32>} : memref<4096xf32, #tpu.memory_space<vmem>>, vector<16xf32>,
      %gather3A_395 = arith.constant 0 : i32
      %gather3A_396 = tpu.memref_slice %arg8[%mul3A_207, %gather3A_395] : memref<512x16xf32, #tpu.memory_space<vmem>> -> memref<128x16xf32, #tpu.memory_space<vmem>>
      %gather3A_397 = tpu.vector_load_idx %gather3A_396[%add3A_329, %broadcast_in_dim3A_26] : memref<128x16xf32, #tpu.memory_space<vmem>>[vector<16xi32>, vector<16xi32>], vector<16xf32>,
      %add3A_398 = arith.constant 1152 : i32
      %add3A_399 = arith.addi %add3A_331, %add3A_398 : i32
      %swap3A_400 = arith.index_cast %add3A_399 : i32 to index
      %swap3A_401 = tpu.vector_load %arg9[%swap3A_400] {strides = array<i32>} : memref<4096xf32, #tpu.memory_space<vmem>>, vector<16xf32>,
      tpu.vector_store %arg9[%swap3A_400], %gather3A_397 {strides = array<i32>} : memref<4096xf32, #tpu.memory_space<vmem>>, vector<16xf32>,
      %gather3A_402 = arith.constant 0 : i32
      %gather3A_403 = tpu.memref_slice %arg8[%mul3A_207, %gather3A_402] : memref<512x16xf32, #tpu.memory_space<vmem>> -> memref<128x16xf32, #tpu.memory_space<vmem>>
      %gather3A_404 = tpu.vector_load_idx %gather3A_403[%add3A_329, %broadcast_in_dim3A_28] : memref<128x16xf32, #tpu.memory_space<vmem>>[vector<16xi32>, vector<16xi32>], vector<16xf32>,
      %add3A_405 = arith.constant 1280 : i32
      %add3A_406 = arith.addi %add3A_331, %add3A_405 : i32
      %swap3A_407 = arith.index_cast %add3A_406 : i32 to index
      %swap3A_408 = tpu.vector_load %arg9[%swap3A_407] {strides = array<i32>} : memref<4096xf32, #tpu.memory_space<vmem>>, vector<16xf32>,
      tpu.vector_store %arg9[%swap3A_407], %gather3A_404 {strides = array<i32>} : memref<4096xf32, #tpu.memory_space<vmem>>, vector<16xf32>,
      %gather3A_409 = arith.constant 0 : i32
      %gather3A_410 = tpu.memref_slice %arg8[%mul3A_207, %gather3A_409] : memref<512x16xf32, #tpu.memory_space<vmem>> -> memref<128x16xf32, #tpu.memory_space<vmem>>
      %gather3A_411 = tpu.vector_load_idx %gather3A_410[%add3A_329, %broadcast_in_dim3A_30] : memref<128x16xf32, #tpu.memory_space<vmem>>[vector<16xi32>, vector<16xi32>], vector<16xf32>,
      %add3A_412 = arith.constant 1408 : i32
      %add3A_413 = arith.addi %add3A_331, %add3A_412 : i32
      %swap3A_414 = arith.index_cast %add3A_413 : i32 to index
      %swap3A_415 = tpu.vector_load %arg9[%swap3A_414] {strides = array<i32>} : memref<4096xf32, #tpu.memory_space<vmem>>, vector<16xf32>,
      tpu.vector_store %arg9[%swap3A_414], %gather3A_411 {strides = array<i32>} : memref<4096xf32, #tpu.memory_space<vmem>>, vector<16xf32>,
      %gather3A_416 = arith.constant 0 : i32
      %gather3A_417 = tpu.memref_slice %arg8[%mul3A_207, %gather3A_416] : memref<512x16xf32, #tpu.memory_space<vmem>> -> memref<128x16xf32, #tpu.memory_space<vmem>>
      %gather3A_418 = tpu.vector_load_idx %gather3A_417[%add3A_329, %broadcast_in_dim3A_32] : memref<128x16xf32, #tpu.memory_space<vmem>>[vector<16xi32>, vector<16xi32>], vector<16xf32>,
      %add3A_419 = arith.constant 1536 : i32
      %add3A_420 = arith.addi %add3A_331, %add3A_419 : i32
      %swap3A_421 = arith.index_cast %add3A_420 : i32 to index
      %swap3A_422 = tpu.vector_load %arg9[%swap3A_421] {strides = array<i32>} : memref<4096xf32, #tpu.memory_space<vmem>>, vector<16xf32>,
      tpu.vector_store %arg9[%swap3A_421], %gather3A_418 {strides = array<i32>} : memref<4096xf32, #tpu.memory_space<vmem>>, vector<16xf32>,
      %gather3A_423 = arith.constant 0 : i32
      %gather3A_424 = tpu.memref_slice %arg8[%mul3A_207, %gather3A_423] : memref<512x16xf32, #tpu.memory_space<vmem>> -> memref<128x16xf32, #tpu.memory_space<vmem>>
      %gather3A_425 = tpu.vector_load_idx %gather3A_424[%add3A_329, %broadcast_in_dim3A_34] : memref<128x16xf32, #tpu.memory_space<vmem>>[vector<16xi32>, vector<16xi32>], vector<16xf32>,
      %add3A_426 = arith.constant 1664 : i32
      %add3A_427 = arith.addi %add3A_331, %add3A_426 : i32
      %swap3A_428 = arith.index_cast %add3A_427 : i32 to index
      %swap3A_429 = tpu.vector_load %arg9[%swap3A_428] {strides = array<i32>} : memref<4096xf32, #tpu.memory_space<vmem>>, vector<16xf32>,
      tpu.vector_store %arg9[%swap3A_428], %gather3A_425 {strides = array<i32>} : memref<4096xf32, #tpu.memory_space<vmem>>, vector<16xf32>,
      %gather3A_430 = arith.constant 0 : i32
      %gather3A_431 = tpu.memref_slice %arg8[%mul3A_207, %gather3A_430] : memref<512x16xf32, #tpu.memory_space<vmem>> -> memref<128x16xf32, #tpu.memory_space<vmem>>
      %gather3A_432 = tpu.vector_load_idx %gather3A_431[%add3A_329, %broadcast_in_dim3A_36] : memref<128x16xf32, #tpu.memory_space<vmem>>[vector<16xi32>, vector<16xi32>], vector<16xf32>,
      %add3A_433 = arith.constant 1792 : i32
      %add3A_434 = arith.addi %add3A_331, %add3A_433 : i32
      %swap3A_435 = arith.index_cast %add3A_434 : i32 to index
      %swap3A_436 = tpu.vector_load %arg9[%swap3A_435] {strides = array<i32>} : memref<4096xf32, #tpu.memory_space<vmem>>, vector<16xf32>,
      tpu.vector_store %arg9[%swap3A_435], %gather3A_432 {strides = array<i32>} : memref<4096xf32, #tpu.memory_space<vmem>>, vector<16xf32>,
      %gather3A_437 = arith.constant 0 : i32
      %gather3A_438 = tpu.memref_slice %arg8[%mul3A_207, %gather3A_437] : memref<512x16xf32, #tpu.memory_space<vmem>> -> memref<128x16xf32, #tpu.memory_space<vmem>>
      %gather3A_439 = tpu.vector_load_idx %gather3A_438[%add3A_329, %broadcast_in_dim3A_38] : memref<128x16xf32, #tpu.memory_space<vmem>>[vector<16xi32>, vector<16xi32>], vector<16xf32>,
      %add3A_440 = arith.constant 1920 : i32
      %add3A_441 = arith.addi %add3A_331, %add3A_440 : i32
      %swap3A_442 = arith.index_cast %add3A_441 : i32 to index
      %swap3A_443 = tpu.vector_load %arg9[%swap3A_442] {strides = array<i32>} : memref<4096xf32, #tpu.memory_space<vmem>>, vector<16xf32>,
      tpu.vector_store %arg9[%swap3A_442], %gather3A_439 {strides = array<i32>} : memref<4096xf32, #tpu.memory_space<vmem>>, vector<16xf32>,
      %add3A_444 = arith.constant 32 : i32
      %add3A_445 = vector.broadcast %add3A_444 : i32 to vector<16xi32>
      %add3A_446 = arith.addi %iota3A, %add3A_445 : vector<16xi32>
      %add3A_447 = arith.constant 32 : i32
      %add3A_448 = arith.addi %mul3A_211, %add3A_447 : i32
      %gather3A_449 = arith.constant 0 : i32
      %gather3A_450 = tpu.memref_slice %arg8[%mul3A_207, %gather3A_449] : memref<512x16xf32, #tpu.memory_space<vmem>> -> memref<128x16xf32, #tpu.memory_space<vmem>>
      %gather3A_451 = tpu.vector_load_idx %gather3A_450[%add3A_446, %broadcast_in_dim3A_8] : memref<128x16xf32, #tpu.memory_space<vmem>>[vector<16xi32>, vector<16xi32>], vector<16xf32>,
      %add3A_452 = arith.constant 0 : i32
      %add3A_453 = arith.addi %add3A_448, %add3A_452 : i32
      %swap3A_454 = arith.index_cast %add3A_453 : i32 to index
      %swap3A_455 = tpu.vector_load %arg9[%swap3A_454] {strides = array<i32>} : memref<4096xf32, #tpu.memory_space<vmem>>, vector<16xf32>,
      tpu.vector_store %arg9[%swap3A_454], %gather3A_451 {strides = array<i32>} : memref<4096xf32, #tpu.memory_space<vmem>>, vector<16xf32>,
      %gather3A_456 = arith.constant 0 : i32
      %gather3A_457 = tpu.memref_slice %arg8[%mul3A_207, %gather3A_456] : memref<512x16xf32, #tpu.memory_space<vmem>> -> memref<128x16xf32, #tpu.memory_space<vmem>>
      %gather3A_458 = tpu.vector_load_idx %gather3A_457[%add3A_446, %broadcast_in_dim3A_10] : memref<128x16xf32, #tpu.memory_space<vmem>>[vector<16xi32>, vector<16xi32>], vector<16xf32>,
      %add3A_459 = arith.constant 128 : i32
      %add3A_460 = arith.addi %add3A_448, %add3A_459 : i32
      %swap3A_461 = arith.index_cast %add3A_460 : i32 to index
      %swap3A_462 = tpu.vector_load %arg9[%swap3A_461] {strides = array<i32>} : memref<4096xf32, #tpu.memory_space<vmem>>, vector<16xf32>,
      tpu.vector_store %arg9[%swap3A_461], %gather3A_458 {strides = array<i32>} : memref<4096xf32, #tpu.memory_space<vmem>>, vector<16xf32>,
      %gather3A_463 = arith.constant 0 : i32
      %gather3A_464 = tpu.memref_slice %arg8[%mul3A_207, %gather3A_463] : memref<512x16xf32, #tpu.memory_space<vmem>> -> memref<128x16xf32, #tpu.memory_space<vmem>>
      %gather3A_465 = tpu.vector_load_idx %gather3A_464[%add3A_446, %broadcast_in_dim3A_12] : memref<128x16xf32, #tpu.memory_space<vmem>>[vector<16xi32>, vector<16xi32>], vector<16xf32>,
      %add3A_466 = arith.constant 256 : i32
      %add3A_467 = arith.addi %add3A_448, %add3A_466 : i32
      %swap3A_468 = arith.index_cast %add3A_467 : i32 to index
      %swap3A_469 = tpu.vector_load %arg9[%swap3A_468] {strides = array<i32>} : memref<4096xf32, #tpu.memory_space<vmem>>, vector<16xf32>,
      tpu.vector_store %arg9[%swap3A_468], %gather3A_465 {strides = array<i32>} : memref<4096xf32, #tpu.memory_space<vmem>>, vector<16xf32>,
      %gather3A_470 = arith.constant 0 : i32
      %gather3A_471 = tpu.memref_slice %arg8[%mul3A_207, %gather3A_470] : memref<512x16xf32, #tpu.memory_space<vmem>> -> memref<128x16xf32, #tpu.memory_space<vmem>>
      %gather3A_472 = tpu.vector_load_idx %gather3A_471[%add3A_446, %broadcast_in_dim3A_14] : memref<128x16xf32, #tpu.memory_space<vmem>>[vector<16xi32>, vector<16xi32>], vector<16xf32>,
      %add3A_473 = arith.constant 384 : i32
      %add3A_474 = arith.addi %add3A_448, %add3A_473 : i32
      %swap3A_475 = arith.index_cast %add3A_474 : i32 to index
      %swap3A_476 = tpu.vector_load %arg9[%swap3A_475] {strides = array<i32>} : memref<4096xf32, #tpu.memory_space<vmem>>, vector<16xf32>,
      tpu.vector_store %arg9[%swap3A_475], %gather3A_472 {strides = array<i32>} : memref<4096xf32, #tpu.memory_space<vmem>>, vector<16xf32>,
      %gather3A_477 = arith.constant 0 : i32
      %gather3A_478 = tpu.memref_slice %arg8[%mul3A_207, %gather3A_477] : memref<512x16xf32, #tpu.memory_space<vmem>> -> memref<128x16xf32, #tpu.memory_space<vmem>>
      %gather3A_479 = tpu.vector_load_idx %gather3A_478[%add3A_446, %broadcast_in_dim3A_16] : memref<128x16xf32, #tpu.memory_space<vmem>>[vector<16xi32>, vector<16xi32>], vector<16xf32>,
      %add3A_480 = arith.constant 512 : i32
      %add3A_481 = arith.addi %add3A_448, %add3A_480 : i32
      %swap3A_482 = arith.index_cast %add3A_481 : i32 to index
      %swap3A_483 = tpu.vector_load %arg9[%swap3A_482] {strides = array<i32>} : memref<4096xf32, #tpu.memory_space<vmem>>, vector<16xf32>,
      tpu.vector_store %arg9[%swap3A_482], %gather3A_479 {strides = array<i32>} : memref<4096xf32, #tpu.memory_space<vmem>>, vector<16xf32>,
      %gather3A_484 = arith.constant 0 : i32
      %gather3A_485 = tpu.memref_slice %arg8[%mul3A_207, %gather3A_484] : memref<512x16xf32, #tpu.memory_space<vmem>> -> memref<128x16xf32, #tpu.memory_space<vmem>>
      %gather3A_486 = tpu.vector_load_idx %gather3A_485[%add3A_446, %broadcast_in_dim3A_18] : memref<128x16xf32, #tpu.memory_space<vmem>>[vector<16xi32>, vector<16xi32>], vector<16xf32>,
      %add3A_487 = arith.constant 640 : i32
      %add3A_488 = arith.addi %add3A_448, %add3A_487 : i32
      %swap3A_489 = arith.index_cast %add3A_488 : i32 to index
      %swap3A_490 = tpu.vector_load %arg9[%swap3A_489] {strides = array<i32>} : memref<4096xf32, #tpu.memory_space<vmem>>, vector<16xf32>,
      tpu.vector_store %arg9[%swap3A_489], %gather3A_486 {strides = array<i32>} : memref<4096xf32, #tpu.memory_space<vmem>>, vector<16xf32>,
      %gather3A_491 = arith.constant 0 : i32
      %gather3A_492 = tpu.memref_slice %arg8[%mul3A_207, %gather3A_491] : memref<512x16xf32, #tpu.memory_space<vmem>> -> memref<128x16xf32, #tpu.memory_space<vmem>>
      %gather3A_493 = tpu.vector_load_idx %gather3A_492[%add3A_446, %broadcast_in_dim3A_20] : memref<128x16xf32, #tpu.memory_space<vmem>>[vector<16xi32>, vector<16xi32>], vector<16xf32>,
      %add3A_494 = arith.constant 768 : i32
      %add3A_495 = arith.addi %add3A_448, %add3A_494 : i32
      %swap3A_496 = arith.index_cast %add3A_495 : i32 to index
      %swap3A_497 = tpu.vector_load %arg9[%swap3A_496] {strides = array<i32>} : memref<4096xf32, #tpu.memory_space<vmem>>, vector<16xf32>,
      tpu.vector_store %arg9[%swap3A_496], %gather3A_493 {strides = array<i32>} : memref<4096xf32, #tpu.memory_space<vmem>>, vector<16xf32>,
      %gather3A_498 = arith.constant 0 : i32
      %gather3A_499 = tpu.memref_slice %arg8[%mul3A_207, %gather3A_498] : memref<512x16xf32, #tpu.memory_space<vmem>> -> memref<128x16xf32, #tpu.memory_space<vmem>>
      %gather3A_500 = tpu.vector_load_idx %gather3A_499[%add3A_446, %broadcast_in_dim3A_22] : memref<128x16xf32, #tpu.memory_space<vmem>>[vector<16xi32>, vector<16xi32>], vector<16xf32>,
      %add3A_501 = arith.constant 896 : i32
      %add3A_502 = arith.addi %add3A_448, %add3A_501 : i32
      %swap3A_503 = arith.index_cast %add3A_502 : i32 to index
      %swap3A_504 = tpu.vector_load %arg9[%swap3A_503] {strides = array<i32>} : memref<4096xf32, #tpu.memory_space<vmem>>, vector<16xf32>,
      tpu.vector_store %arg9[%swap3A_503], %gather3A_500 {strides = array<i32>} : memref<4096xf32, #tpu.memory_space<vmem>>, vector<16xf32>,
      %gather3A_505 = arith.constant 0 : i32
      %gather3A_506 = tpu.memref_slice %arg8[%mul3A_207, %gather3A_505] : memref<512x16xf32, #tpu.memory_space<vmem>> -> memref<128x16xf32, #tpu.memory_space<vmem>>
      %gather3A_507 = tpu.vector_load_idx %gather3A_506[%add3A_446, %broadcast_in_dim3A_24] : memref<128x16xf32, #tpu.memory_space<vmem>>[vector<16xi32>, vector<16xi32>], vector<16xf32>,
      %add3A_508 = arith.constant 1024 : i32
      %add3A_509 = arith.addi %add3A_448, %add3A_508 : i32
      %swap3A_510 = arith.index_cast %add3A_509 : i32 to index
      %swap3A_511 = tpu.vector_load %arg9[%swap3A_510] {strides = array<i32>} : memref<4096xf32, #tpu.memory_space<vmem>>, vector<16xf32>,
      tpu.vector_store %arg9[%swap3A_510], %gather3A_507 {strides = array<i32>} : memref<4096xf32, #tpu.memory_space<vmem>>, vector<16xf32>,
      %gather3A_512 = arith.constant 0 : i32
      %gather3A_513 = tpu.memref_slice %arg8[%mul3A_207, %gather3A_512] : memref<512x16xf32, #tpu.memory_space<vmem>> -> memref<128x16xf32, #tpu.memory_space<vmem>>
      %gather3A_514 = tpu.vector_load_idx %gather3A_513[%add3A_446, %broadcast_in_dim3A_26] : memref<128x16xf32, #tpu.memory_space<vmem>>[vector<16xi32>, vector<16xi32>], vector<16xf32>,
      %add3A_515 = arith.constant 1152 : i32
      %add3A_516 = arith.addi %add3A_448, %add3A_515 : i32
      %swap3A_517 = arith.index_cast %add3A_516 : i32 to index
      %swap3A_518 = tpu.vector_load %arg9[%swap3A_517] {strides = array<i32>} : memref<4096xf32, #tpu.memory_space<vmem>>, vector<16xf32>,
      tpu.vector_store %arg9[%swap3A_517], %gather3A_514 {strides = array<i32>} : memref<4096xf32, #tpu.memory_space<vmem>>, vector<16xf32>,
      %gather3A_519 = arith.constant 0 : i32
      %gather3A_520 = tpu.memref_slice %arg8[%mul3A_207, %gather3A_519] : memref<512x16xf32, #tpu.memory_space<vmem>> -> memref<128x16xf32, #tpu.memory_space<vmem>>
      %gather3A_521 = tpu.vector_load_idx %gather3A_520[%add3A_446, %broadcast_in_dim3A_28] : memref<128x16xf32, #tpu.memory_space<vmem>>[vector<16xi32>, vector<16xi32>], vector<16xf32>,
      %add3A_522 = arith.constant 1280 : i32
      %add3A_523 = arith.addi %add3A_448, %add3A_522 : i32
      %swap3A_524 = arith.index_cast %add3A_523 : i32 to index
      %swap3A_525 = tpu.vector_load %arg9[%swap3A_524] {strides = array<i32>} : memref<4096xf32, #tpu.memory_space<vmem>>, vector<16xf32>,
      tpu.vector_store %arg9[%swap3A_524], %gather3A_521 {strides = array<i32>} : memref<4096xf32, #tpu.memory_space<vmem>>, vector<16xf32>,
      %gather3A_526 = arith.constant 0 : i32
      %gather3A_527 = tpu.memref_slice %arg8[%mul3A_207, %gather3A_526] : memref<512x16xf32, #tpu.memory_space<vmem>> -> memref<128x16xf32, #tpu.memory_space<vmem>>
      %gather3A_528 = tpu.vector_load_idx %gather3A_527[%add3A_446, %broadcast_in_dim3A_30] : memref<128x16xf32, #tpu.memory_space<vmem>>[vector<16xi32>, vector<16xi32>], vector<16xf32>,
      %add3A_529 = arith.constant 1408 : i32
      %add3A_530 = arith.addi %add3A_448, %add3A_529 : i32
      %swap3A_531 = arith.index_cast %add3A_530 : i32 to index
      %swap3A_532 = tpu.vector_load %arg9[%swap3A_531] {strides = array<i32>} : memref<4096xf32, #tpu.memory_space<vmem>>, vector<16xf32>,
      tpu.vector_store %arg9[%swap3A_531], %gather3A_528 {strides = array<i32>} : memref<4096xf32, #tpu.memory_space<vmem>>, vector<16xf32>,
      %gather3A_533 = arith.constant 0 : i32
      %gather3A_534 = tpu.memref_slice %arg8[%mul3A_207, %gather3A_533] : memref<512x16xf32, #tpu.memory_space<vmem>> -> memref<128x16xf32, #tpu.memory_space<vmem>>
      %gather3A_535 = tpu.vector_load_idx %gather3A_534[%add3A_446, %broadcast_in_dim3A_32] : memref<128x16xf32, #tpu.memory_space<vmem>>[vector<16xi32>, vector<16xi32>], vector<16xf32>,
      %add3A_536 = arith.constant 1536 : i32
      %add3A_537 = arith.addi %add3A_448, %add3A_536 : i32
      %swap3A_538 = arith.index_cast %add3A_537 : i32 to index
      %swap3A_539 = tpu.vector_load %arg9[%swap3A_538] {strides = array<i32>} : memref<4096xf32, #tpu.memory_space<vmem>>, vector<16xf32>,
      tpu.vector_store %arg9[%swap3A_538], %gather3A_535 {strides = array<i32>} : memref<4096xf32, #tpu.memory_space<vmem>>, vector<16xf32>,
      %gather3A_540 = arith.constant 0 : i32
      %gather3A_541 = tpu.memref_slice %arg8[%mul3A_207, %gather3A_540] : memref<512x16xf32, #tpu.memory_space<vmem>> -> memref<128x16xf32, #tpu.memory_space<vmem>>
      %gather3A_542 = tpu.vector_load_idx %gather3A_541[%add3A_446, %broadcast_in_dim3A_34] : memref<128x16xf32, #tpu.memory_space<vmem>>[vector<16xi32>, vector<16xi32>], vector<16xf32>,
      %add3A_543 = arith.constant 1664 : i32
      %add3A_544 = arith.addi %add3A_448, %add3A_543 : i32
      %swap3A_545 = arith.index_cast %add3A_544 : i32 to index
      %swap3A_546 = tpu.vector_load %arg9[%swap3A_545] {strides = array<i32>} : memref<4096xf32, #tpu.memory_space<vmem>>, vector<16xf32>,
      tpu.vector_store %arg9[%swap3A_545], %gather3A_542 {strides = array<i32>} : memref<4096xf32, #tpu.memory_space<vmem>>, vector<16xf32>,
      %gather3A_547 = arith.constant 0 : i32
      %gather3A_548 = tpu.memref_slice %arg8[%mul3A_207, %gather3A_547] : memref<512x16xf32, #tpu.memory_space<vmem>> -> memref<128x16xf32, #tpu.memory_space<vmem>>
      %gather3A_549 = tpu.vector_load_idx %gather3A_548[%add3A_446, %broadcast_in_dim3A_36] : memref<128x16xf32, #tpu.memory_space<vmem>>[vector<16xi32>, vector<16xi32>], vector<16xf32>,
      %add3A_550 = arith.constant 1792 : i32
      %add3A_551 = arith.addi %add3A_448, %add3A_550 : i32
      %swap3A_552 = arith.index_cast %add3A_551 : i32 to index
      %swap3A_553 = tpu.vector_load %arg9[%swap3A_552] {strides = array<i32>} : memref<4096xf32, #tpu.memory_space<vmem>>, vector<16xf32>,
      tpu.vector_store %arg9[%swap3A_552], %gather3A_549 {strides = array<i32>} : memref<4096xf32, #tpu.memory_space<vmem>>, vector<16xf32>,
      %gather3A_554 = arith.constant 0 : i32
      %gather3A_555 = tpu.memref_slice %arg8[%mul3A_207, %gather3A_554] : memref<512x16xf32, #tpu.memory_space<vmem>> -> memref<128x16xf32, #tpu.memory_space<vmem>>
      %gather3A_556 = tpu.vector_load_idx %gather3A_555[%add3A_446, %broadcast_in_dim3A_38] : memref<128x16xf32, #tpu.memory_space<vmem>>[vector<16xi32>, vector<16xi32>], vector<16xf32>,
      %add3A_557 = arith.constant 1920 : i32
      %add3A_558 = arith.addi %add3A_448, %add3A_557 : i32
      %swap3A_559 = arith.index_cast %add3A_558 : i32 to index
      %swap3A_560 = tpu.vector_load %arg9[%swap3A_559] {strides = array<i32>} : memref<4096xf32, #tpu.memory_space<vmem>>, vector<16xf32>,
      tpu.vector_store %arg9[%swap3A_559], %gather3A_556 {strides = array<i32>} : memref<4096xf32, #tpu.memory_space<vmem>>, vector<16xf32>,
      %add3A_561 = arith.constant 48 : i32
      %add3A_562 = vector.broadcast %add3A_561 : i32 to vector<16xi32>
      %add3A_563 = arith.addi %iota3A, %add3A_562 : vector<16xi32>
      %add3A_564 = arith.constant 48 : i32
      %add3A_565 = arith.addi %mul3A_211, %add3A_564 : i32
      %gather3A_566 = arith.constant 0 : i32
      %gather3A_567 = tpu.memref_slice %arg8[%mul3A_207, %gather3A_566] : memref<512x16xf32, #tpu.memory_space<vmem>> -> memref<128x16xf32, #tpu.memory_space<vmem>>
      %gather3A_568 = tpu.vector_load_idx %gather3A_567[%add3A_563, %broadcast_in_dim3A_8] : memref<128x16xf32, #tpu.memory_space<vmem>>[vector<16xi32>, vector<16xi32>], vector<16xf32>,
      %add3A_569 = arith.constant 0 : i32
      %add3A_570 = arith.addi %add3A_565, %add3A_569 : i32
      %swap3A_571 = arith.index_cast %add3A_570 : i32 to index
      %swap3A_572 = tpu.vector_load %arg9[%swap3A_571] {strides = array<i32>} : memref<4096xf32, #tpu.memory_space<vmem>>, vector<16xf32>,
      tpu.vector_store %arg9[%swap3A_571], %gather3A_568 {strides = array<i32>} : memref<4096xf32, #tpu.memory_space<vmem>>, vector<16xf32>,
      %gather3A_573 = arith.constant 0 : i32
      %gather3A_574 = tpu.memref_slice %arg8[%mul3A_207, %gather3A_573] : memref<512x16xf32, #tpu.memory_space<vmem>> -> memref<128x16xf32, #tpu.memory_space<vmem>>
      %gather3A_575 = tpu.vector_load_idx %gather3A_574[%add3A_563, %broadcast_in_dim3A_10] : memref<128x16xf32, #tpu.memory_space<vmem>>[vector<16xi32>, vector<16xi32>], vector<16xf32>,
      %add3A_576 = arith.constant 128 : i32
      %add3A_577 = arith.addi %add3A_565, %add3A_576 : i32
      %swap3A_578 = arith.index_cast %add3A_577 : i32 to index
      %swap3A_579 = tpu.vector_load %arg9[%swap3A_578] {strides = array<i32>} : memref<4096xf32, #tpu.memory_space<vmem>>, vector<16xf32>,
      tpu.vector_store %arg9[%swap3A_578], %gather3A_575 {strides = array<i32>} : memref<4096xf32, #tpu.memory_space<vmem>>, vector<16xf32>,
      %gather3A_580 = arith.constant 0 : i32
      %gather3A_581 = tpu.memref_slice %arg8[%mul3A_207, %gather3A_580] : memref<512x16xf32, #tpu.memory_space<vmem>> -> memref<128x16xf32, #tpu.memory_space<vmem>>
      %gather3A_582 = tpu.vector_load_idx %gather3A_581[%add3A_563, %broadcast_in_dim3A_12] : memref<128x16xf32, #tpu.memory_space<vmem>>[vector<16xi32>, vector<16xi32>], vector<16xf32>,
      %add3A_583 = arith.constant 256 : i32
      %add3A_584 = arith.addi %add3A_565, %add3A_583 : i32
      %swap3A_585 = arith.index_cast %add3A_584 : i32 to index
      %swap3A_586 = tpu.vector_load %arg9[%swap3A_585] {strides = array<i32>} : memref<4096xf32, #tpu.memory_space<vmem>>, vector<16xf32>,
      tpu.vector_store %arg9[%swap3A_585], %gather3A_582 {strides = array<i32>} : memref<4096xf32, #tpu.memory_space<vmem>>, vector<16xf32>,
      %gather3A_587 = arith.constant 0 : i32
      %gather3A_588 = tpu.memref_slice %arg8[%mul3A_207, %gather3A_587] : memref<512x16xf32, #tpu.memory_space<vmem>> -> memref<128x16xf32, #tpu.memory_space<vmem>>
      %gather3A_589 = tpu.vector_load_idx %gather3A_588[%add3A_563, %broadcast_in_dim3A_14] : memref<128x16xf32, #tpu.memory_space<vmem>>[vector<16xi32>, vector<16xi32>], vector<16xf32>,
      %add3A_590 = arith.constant 384 : i32
      %add3A_591 = arith.addi %add3A_565, %add3A_590 : i32
      %swap3A_592 = arith.index_cast %add3A_591 : i32 to index
      %swap3A_593 = tpu.vector_load %arg9[%swap3A_592] {strides = array<i32>} : memref<4096xf32, #tpu.memory_space<vmem>>, vector<16xf32>,
      tpu.vector_store %arg9[%swap3A_592], %gather3A_589 {strides = array<i32>} : memref<4096xf32, #tpu.memory_space<vmem>>, vector<16xf32>,
      %gather3A_594 = arith.constant 0 : i32
      %gather3A_595 = tpu.memref_slice %arg8[%mul3A_207, %gather3A_594] : memref<512x16xf32, #tpu.memory_space<vmem>> -> memref<128x16xf32, #tpu.memory_space<vmem>>
      %gather3A_596 = tpu.vector_load_idx %gather3A_595[%add3A_563, %broadcast_in_dim3A_16] : memref<128x16xf32, #tpu.memory_space<vmem>>[vector<16xi32>, vector<16xi32>], vector<16xf32>,
      %add3A_597 = arith.constant 512 : i32
      %add3A_598 = arith.addi %add3A_565, %add3A_597 : i32
      %swap3A_599 = arith.index_cast %add3A_598 : i32 to index
      %swap3A_600 = tpu.vector_load %arg9[%swap3A_599] {strides = array<i32>} : memref<4096xf32, #tpu.memory_space<vmem>>, vector<16xf32>,
      tpu.vector_store %arg9[%swap3A_599], %gather3A_596 {strides = array<i32>} : memref<4096xf32, #tpu.memory_space<vmem>>, vector<16xf32>,
      %gather3A_601 = arith.constant 0 : i32
      %gather3A_602 = tpu.memref_slice %arg8[%mul3A_207, %gather3A_601] : memref<512x16xf32, #tpu.memory_space<vmem>> -> memref<128x16xf32, #tpu.memory_space<vmem>>
      %gather3A_603 = tpu.vector_load_idx %gather3A_602[%add3A_563, %broadcast_in_dim3A_18] : memref<128x16xf32, #tpu.memory_space<vmem>>[vector<16xi32>, vector<16xi32>], vector<16xf32>,
      %add3A_604 = arith.constant 640 : i32
      %add3A_605 = arith.addi %add3A_565, %add3A_604 : i32
      %swap3A_606 = arith.index_cast %add3A_605 : i32 to index
      %swap3A_607 = tpu.vector_load %arg9[%swap3A_606] {strides = array<i32>} : memref<4096xf32, #tpu.memory_space<vmem>>, vector<16xf32>,
      tpu.vector_store %arg9[%swap3A_606], %gather3A_603 {strides = array<i32>} : memref<4096xf32, #tpu.memory_space<vmem>>, vector<16xf32>,
      %gather3A_608 = arith.constant 0 : i32
      %gather3A_609 = tpu.memref_slice %arg8[%mul3A_207, %gather3A_608] : memref<512x16xf32, #tpu.memory_space<vmem>> -> memref<128x16xf32, #tpu.memory_space<vmem>>
      %gather3A_610 = tpu.vector_load_idx %gather3A_609[%add3A_563, %broadcast_in_dim3A_20] : memref<128x16xf32, #tpu.memory_space<vmem>>[vector<16xi32>, vector<16xi32>], vector<16xf32>,
      %add3A_611 = arith.constant 768 : i32
      %add3A_612 = arith.addi %add3A_565, %add3A_611 : i32
      %swap3A_613 = arith.index_cast %add3A_612 : i32 to index
      %swap3A_614 = tpu.vector_load %arg9[%swap3A_613] {strides = array<i32>} : memref<4096xf32, #tpu.memory_space<vmem>>, vector<16xf32>,
      tpu.vector_store %arg9[%swap3A_613], %gather3A_610 {strides = array<i32>} : memref<4096xf32, #tpu.memory_space<vmem>>, vector<16xf32>,
      %gather3A_615 = arith.constant 0 : i32
      %gather3A_616 = tpu.memref_slice %arg8[%mul3A_207, %gather3A_615] : memref<512x16xf32, #tpu.memory_space<vmem>> -> memref<128x16xf32, #tpu.memory_space<vmem>>
      %gather3A_617 = tpu.vector_load_idx %gather3A_616[%add3A_563, %broadcast_in_dim3A_22] : memref<128x16xf32, #tpu.memory_space<vmem>>[vector<16xi32>, vector<16xi32>], vector<16xf32>,
      %add3A_618 = arith.constant 896 : i32
      %add3A_619 = arith.addi %add3A_565, %add3A_618 : i32
      %swap3A_620 = arith.index_cast %add3A_619 : i32 to index
      %swap3A_621 = tpu.vector_load %arg9[%swap3A_620] {strides = array<i32>} : memref<4096xf32, #tpu.memory_space<vmem>>, vector<16xf32>,
      tpu.vector_store %arg9[%swap3A_620], %gather3A_617 {strides = array<i32>} : memref<4096xf32, #tpu.memory_space<vmem>>, vector<16xf32>,
      %gather3A_622 = arith.constant 0 : i32
      %gather3A_623 = tpu.memref_slice %arg8[%mul3A_207, %gather3A_622] : memref<512x16xf32, #tpu.memory_space<vmem>> -> memref<128x16xf32, #tpu.memory_space<vmem>>
      %gather3A_624 = tpu.vector_load_idx %gather3A_623[%add3A_563, %broadcast_in_dim3A_24] : memref<128x16xf32, #tpu.memory_space<vmem>>[vector<16xi32>, vector<16xi32>], vector<16xf32>,
      %add3A_625 = arith.constant 1024 : i32
      %add3A_626 = arith.addi %add3A_565, %add3A_625 : i32
      %swap3A_627 = arith.index_cast %add3A_626 : i32 to index
      %swap3A_628 = tpu.vector_load %arg9[%swap3A_627] {strides = array<i32>} : memref<4096xf32, #tpu.memory_space<vmem>>, vector<16xf32>,
      tpu.vector_store %arg9[%swap3A_627], %gather3A_624 {strides = array<i32>} : memref<4096xf32, #tpu.memory_space<vmem>>, vector<16xf32>,
      %gather3A_629 = arith.constant 0 : i32
      %gather3A_630 = tpu.memref_slice %arg8[%mul3A_207, %gather3A_629] : memref<512x16xf32, #tpu.memory_space<vmem>> -> memref<128x16xf32, #tpu.memory_space<vmem>>
      %gather3A_631 = tpu.vector_load_idx %gather3A_630[%add3A_563, %broadcast_in_dim3A_26] : memref<128x16xf32, #tpu.memory_space<vmem>>[vector<16xi32>, vector<16xi32>], vector<16xf32>,
      %add3A_632 = arith.constant 1152 : i32
      %add3A_633 = arith.addi %add3A_565, %add3A_632 : i32
      %swap3A_634 = arith.index_cast %add3A_633 : i32 to index
      %swap3A_635 = tpu.vector_load %arg9[%swap3A_634] {strides = array<i32>} : memref<4096xf32, #tpu.memory_space<vmem>>, vector<16xf32>,
      tpu.vector_store %arg9[%swap3A_634], %gather3A_631 {strides = array<i32>} : memref<4096xf32, #tpu.memory_space<vmem>>, vector<16xf32>,
      %gather3A_636 = arith.constant 0 : i32
      %gather3A_637 = tpu.memref_slice %arg8[%mul3A_207, %gather3A_636] : memref<512x16xf32, #tpu.memory_space<vmem>> -> memref<128x16xf32, #tpu.memory_space<vmem>>
      %gather3A_638 = tpu.vector_load_idx %gather3A_637[%add3A_563, %broadcast_in_dim3A_28] : memref<128x16xf32, #tpu.memory_space<vmem>>[vector<16xi32>, vector<16xi32>], vector<16xf32>,
      %add3A_639 = arith.constant 1280 : i32
      %add3A_640 = arith.addi %add3A_565, %add3A_639 : i32
      %swap3A_641 = arith.index_cast %add3A_640 : i32 to index
      %swap3A_642 = tpu.vector_load %arg9[%swap3A_641] {strides = array<i32>} : memref<4096xf32, #tpu.memory_space<vmem>>, vector<16xf32>,
      tpu.vector_store %arg9[%swap3A_641], %gather3A_638 {strides = array<i32>} : memref<4096xf32, #tpu.memory_space<vmem>>, vector<16xf32>,
      %gather3A_643 = arith.constant 0 : i32
      %gather3A_644 = tpu.memref_slice %arg8[%mul3A_207, %gather3A_643] : memref<512x16xf32, #tpu.memory_space<vmem>> -> memref<128x16xf32, #tpu.memory_space<vmem>>
      %gather3A_645 = tpu.vector_load_idx %gather3A_644[%add3A_563, %broadcast_in_dim3A_30] : memref<128x16xf32, #tpu.memory_space<vmem>>[vector<16xi32>, vector<16xi32>], vector<16xf32>,
      %add3A_646 = arith.constant 1408 : i32
      %add3A_647 = arith.addi %add3A_565, %add3A_646 : i32
      %swap3A_648 = arith.index_cast %add3A_647 : i32 to index
      %swap3A_649 = tpu.vector_load %arg9[%swap3A_648] {strides = array<i32>} : memref<4096xf32, #tpu.memory_space<vmem>>, vector<16xf32>,
      tpu.vector_store %arg9[%swap3A_648], %gather3A_645 {strides = array<i32>} : memref<4096xf32, #tpu.memory_space<vmem>>, vector<16xf32>,
      %gather3A_650 = arith.constant 0 : i32
      %gather3A_651 = tpu.memref_slice %arg8[%mul3A_207, %gather3A_650] : memref<512x16xf32, #tpu.memory_space<vmem>> -> memref<128x16xf32, #tpu.memory_space<vmem>>
      %gather3A_652 = tpu.vector_load_idx %gather3A_651[%add3A_563, %broadcast_in_dim3A_32] : memref<128x16xf32, #tpu.memory_space<vmem>>[vector<16xi32>, vector<16xi32>], vector<16xf32>,
      %add3A_653 = arith.constant 1536 : i32
      %add3A_654 = arith.addi %add3A_565, %add3A_653 : i32
      %swap3A_655 = arith.index_cast %add3A_654 : i32 to index
      %swap3A_656 = tpu.vector_load %arg9[%swap3A_655] {strides = array<i32>} : memref<4096xf32, #tpu.memory_space<vmem>>, vector<16xf32>,
      tpu.vector_store %arg9[%swap3A_655], %gather3A_652 {strides = array<i32>} : memref<4096xf32, #tpu.memory_space<vmem>>, vector<16xf32>,
      %gather3A_657 = arith.constant 0 : i32
      %gather3A_658 = tpu.memref_slice %arg8[%mul3A_207, %gather3A_657] : memref<512x16xf32, #tpu.memory_space<vmem>> -> memref<128x16xf32, #tpu.memory_space<vmem>>
      %gather3A_659 = tpu.vector_load_idx %gather3A_658[%add3A_563, %broadcast_in_dim3A_34] : memref<128x16xf32, #tpu.memory_space<vmem>>[vector<16xi32>, vector<16xi32>], vector<16xf32>,
      %add3A_660 = arith.constant 1664 : i32
      %add3A_661 = arith.addi %add3A_565, %add3A_660 : i32
      %swap3A_662 = arith.index_cast %add3A_661 : i32 to index
      %swap3A_663 = tpu.vector_load %arg9[%swap3A_662] {strides = array<i32>} : memref<4096xf32, #tpu.memory_space<vmem>>, vector<16xf32>,
      tpu.vector_store %arg9[%swap3A_662], %gather3A_659 {strides = array<i32>} : memref<4096xf32, #tpu.memory_space<vmem>>, vector<16xf32>,
      %gather3A_664 = arith.constant 0 : i32
      %gather3A_665 = tpu.memref_slice %arg8[%mul3A_207, %gather3A_664] : memref<512x16xf32, #tpu.memory_space<vmem>> -> memref<128x16xf32, #tpu.memory_space<vmem>>
      %gather3A_666 = tpu.vector_load_idx %gather3A_665[%add3A_563, %broadcast_in_dim3A_36] : memref<128x16xf32, #tpu.memory_space<vmem>>[vector<16xi32>, vector<16xi32>], vector<16xf32>,
      %add3A_667 = arith.constant 1792 : i32
      %add3A_668 = arith.addi %add3A_565, %add3A_667 : i32
      %swap3A_669 = arith.index_cast %add3A_668 : i32 to index
      %swap3A_670 = tpu.vector_load %arg9[%swap3A_669] {strides = array<i32>} : memref<4096xf32, #tpu.memory_space<vmem>>, vector<16xf32>,
      tpu.vector_store %arg9[%swap3A_669], %gather3A_666 {strides = array<i32>} : memref<4096xf32, #tpu.memory_space<vmem>>, vector<16xf32>,
      %gather3A_671 = arith.constant 0 : i32
      %gather3A_672 = tpu.memref_slice %arg8[%mul3A_207, %gather3A_671] : memref<512x16xf32, #tpu.memory_space<vmem>> -> memref<128x16xf32, #tpu.memory_space<vmem>>
      %gather3A_673 = tpu.vector_load_idx %gather3A_672[%add3A_563, %broadcast_in_dim3A_38] : memref<128x16xf32, #tpu.memory_space<vmem>>[vector<16xi32>, vector<16xi32>], vector<16xf32>,
      %add3A_674 = arith.constant 1920 : i32
      %add3A_675 = arith.addi %add3A_565, %add3A_674 : i32
      %swap3A_676 = arith.index_cast %add3A_675 : i32 to index
      %swap3A_677 = tpu.vector_load %arg9[%swap3A_676] {strides = array<i32>} : memref<4096xf32, #tpu.memory_space<vmem>>, vector<16xf32>,
      tpu.vector_store %arg9[%swap3A_676], %gather3A_673 {strides = array<i32>} : memref<4096xf32, #tpu.memory_space<vmem>>, vector<16xf32>,
      %add3A_678 = arith.constant 64 : i32
      %add3A_679 = vector.broadcast %add3A_678 : i32 to vector<16xi32>
      %add3A_680 = arith.addi %iota3A, %add3A_679 : vector<16xi32>
      %add3A_681 = arith.constant 64 : i32
      %add3A_682 = arith.addi %mul3A_211, %add3A_681 : i32
      %gather3A_683 = arith.constant 0 : i32
      %gather3A_684 = tpu.memref_slice %arg8[%mul3A_207, %gather3A_683] : memref<512x16xf32, #tpu.memory_space<vmem>> -> memref<128x16xf32, #tpu.memory_space<vmem>>
      %gather3A_685 = tpu.vector_load_idx %gather3A_684[%add3A_680, %broadcast_in_dim3A_8] : memref<128x16xf32, #tpu.memory_space<vmem>>[vector<16xi32>, vector<16xi32>], vector<16xf32>,
      %add3A_686 = arith.constant 0 : i32
      %add3A_687 = arith.addi %add3A_682, %add3A_686 : i32
      %swap3A_688 = arith.index_cast %add3A_687 : i32 to index
      %swap3A_689 = tpu.vector_load %arg9[%swap3A_688] {strides = array<i32>} : memref<4096xf32, #tpu.memory_space<vmem>>, vector<16xf32>,
      tpu.vector_store %arg9[%swap3A_688], %gather3A_685 {strides = array<i32>} : memref<4096xf32, #tpu.memory_space<vmem>>, vector<16xf32>,
      %gather3A_690 = arith.constant 0 : i32
      %gather3A_691 = tpu.memref_slice %arg8[%mul3A_207, %gather3A_690] : memref<512x16xf32, #tpu.memory_space<vmem>> -> memref<128x16xf32, #tpu.memory_space<vmem>>
      %gather3A_692 = tpu.vector_load_idx %gather3A_691[%add3A_680, %broadcast_in_dim3A_10] : memref<128x16xf32, #tpu.memory_space<vmem>>[vector<16xi32>, vector<16xi32>], vector<16xf32>,
      %add3A_693 = arith.constant 128 : i32
      %add3A_694 = arith.addi %add3A_682, %add3A_693 : i32
      %swap3A_695 = arith.index_cast %add3A_694 : i32 to index
      %swap3A_696 = tpu.vector_load %arg9[%swap3A_695] {strides = array<i32>} : memref<4096xf32, #tpu.memory_space<vmem>>, vector<16xf32>,
      tpu.vector_store %arg9[%swap3A_695], %gather3A_692 {strides = array<i32>} : memref<4096xf32, #tpu.memory_space<vmem>>, vector<16xf32>,
      %gather3A_697 = arith.constant 0 : i32
      %gather3A_698 = tpu.memref_slice %arg8[%mul3A_207, %gather3A_697] : memref<512x16xf32, #tpu.memory_space<vmem>> -> memref<128x16xf32, #tpu.memory_space<vmem>>
      %gather3A_699 = tpu.vector_load_idx %gather3A_698[%add3A_680, %broadcast_in_dim3A_12] : memref<128x16xf32, #tpu.memory_space<vmem>>[vector<16xi32>, vector<16xi32>], vector<16xf32>,
      %add3A_700 = arith.constant 256 : i32
      %add3A_701 = arith.addi %add3A_682, %add3A_700 : i32
      %swap3A_702 = arith.index_cast %add3A_701 : i32 to index
      %swap3A_703 = tpu.vector_load %arg9[%swap3A_702] {strides = array<i32>} : memref<4096xf32, #tpu.memory_space<vmem>>, vector<16xf32>,
      tpu.vector_store %arg9[%swap3A_702], %gather3A_699 {strides = array<i32>} : memref<4096xf32, #tpu.memory_space<vmem>>, vector<16xf32>,
      %gather3A_704 = arith.constant 0 : i32
      %gather3A_705 = tpu.memref_slice %arg8[%mul3A_207, %gather3A_704] : memref<512x16xf32, #tpu.memory_space<vmem>> -> memref<128x16xf32, #tpu.memory_space<vmem>>
      %gather3A_706 = tpu.vector_load_idx %gather3A_705[%add3A_680, %broadcast_in_dim3A_14] : memref<128x16xf32, #tpu.memory_space<vmem>>[vector<16xi32>, vector<16xi32>], vector<16xf32>,
      %add3A_707 = arith.constant 384 : i32
      %add3A_708 = arith.addi %add3A_682, %add3A_707 : i32
      %swap3A_709 = arith.index_cast %add3A_708 : i32 to index
      %swap3A_710 = tpu.vector_load %arg9[%swap3A_709] {strides = array<i32>} : memref<4096xf32, #tpu.memory_space<vmem>>, vector<16xf32>,
      tpu.vector_store %arg9[%swap3A_709], %gather3A_706 {strides = array<i32>} : memref<4096xf32, #tpu.memory_space<vmem>>, vector<16xf32>,
      %gather3A_711 = arith.constant 0 : i32
      %gather3A_712 = tpu.memref_slice %arg8[%mul3A_207, %gather3A_711] : memref<512x16xf32, #tpu.memory_space<vmem>> -> memref<128x16xf32, #tpu.memory_space<vmem>>
      %gather3A_713 = tpu.vector_load_idx %gather3A_712[%add3A_680, %broadcast_in_dim3A_16] : memref<128x16xf32, #tpu.memory_space<vmem>>[vector<16xi32>, vector<16xi32>], vector<16xf32>,
      %add3A_714 = arith.constant 512 : i32
      %add3A_715 = arith.addi %add3A_682, %add3A_714 : i32
      %swap3A_716 = arith.index_cast %add3A_715 : i32 to index
      %swap3A_717 = tpu.vector_load %arg9[%swap3A_716] {strides = array<i32>} : memref<4096xf32, #tpu.memory_space<vmem>>, vector<16xf32>,
      tpu.vector_store %arg9[%swap3A_716], %gather3A_713 {strides = array<i32>} : memref<4096xf32, #tpu.memory_space<vmem>>, vector<16xf32>,
      %gather3A_718 = arith.constant 0 : i32
      %gather3A_719 = tpu.memref_slice %arg8[%mul3A_207, %gather3A_718] : memref<512x16xf32, #tpu.memory_space<vmem>> -> memref<128x16xf32, #tpu.memory_space<vmem>>
      %gather3A_720 = tpu.vector_load_idx %gather3A_719[%add3A_680, %broadcast_in_dim3A_18] : memref<128x16xf32, #tpu.memory_space<vmem>>[vector<16xi32>, vector<16xi32>], vector<16xf32>,
      %add3A_721 = arith.constant 640 : i32
      %add3A_722 = arith.addi %add3A_682, %add3A_721 : i32
      %swap3A_723 = arith.index_cast %add3A_722 : i32 to index
      %swap3A_724 = tpu.vector_load %arg9[%swap3A_723] {strides = array<i32>} : memref<4096xf32, #tpu.memory_space<vmem>>, vector<16xf32>,
      tpu.vector_store %arg9[%swap3A_723], %gather3A_720 {strides = array<i32>} : memref<4096xf32, #tpu.memory_space<vmem>>, vector<16xf32>,
      %gather3A_725 = arith.constant 0 : i32
      %gather3A_726 = tpu.memref_slice %arg8[%mul3A_207, %gather3A_725] : memref<512x16xf32, #tpu.memory_space<vmem>> -> memref<128x16xf32, #tpu.memory_space<vmem>>
      %gather3A_727 = tpu.vector_load_idx %gather3A_726[%add3A_680, %broadcast_in_dim3A_20] : memref<128x16xf32, #tpu.memory_space<vmem>>[vector<16xi32>, vector<16xi32>], vector<16xf32>,
      %add3A_728 = arith.constant 768 : i32
      %add3A_729 = arith.addi %add3A_682, %add3A_728 : i32
      %swap3A_730 = arith.index_cast %add3A_729 : i32 to index
      %swap3A_731 = tpu.vector_load %arg9[%swap3A_730] {strides = array<i32>} : memref<4096xf32, #tpu.memory_space<vmem>>, vector<16xf32>,
      tpu.vector_store %arg9[%swap3A_730], %gather3A_727 {strides = array<i32>} : memref<4096xf32, #tpu.memory_space<vmem>>, vector<16xf32>,
      %gather3A_732 = arith.constant 0 : i32
      %gather3A_733 = tpu.memref_slice %arg8[%mul3A_207, %gather3A_732] : memref<512x16xf32, #tpu.memory_space<vmem>> -> memref<128x16xf32, #tpu.memory_space<vmem>>
      %gather3A_734 = tpu.vector_load_idx %gather3A_733[%add3A_680, %broadcast_in_dim3A_22] : memref<128x16xf32, #tpu.memory_space<vmem>>[vector<16xi32>, vector<16xi32>], vector<16xf32>,
      %add3A_735 = arith.constant 896 : i32
      %add3A_736 = arith.addi %add3A_682, %add3A_735 : i32
      %swap3A_737 = arith.index_cast %add3A_736 : i32 to index
      %swap3A_738 = tpu.vector_load %arg9[%swap3A_737] {strides = array<i32>} : memref<4096xf32, #tpu.memory_space<vmem>>, vector<16xf32>,
      tpu.vector_store %arg9[%swap3A_737], %gather3A_734 {strides = array<i32>} : memref<4096xf32, #tpu.memory_space<vmem>>, vector<16xf32>,
      %gather3A_739 = arith.constant 0 : i32
      %gather3A_740 = tpu.memref_slice %arg8[%mul3A_207, %gather3A_739] : memref<512x16xf32, #tpu.memory_space<vmem>> -> memref<128x16xf32, #tpu.memory_space<vmem>>
      %gather3A_741 = tpu.vector_load_idx %gather3A_740[%add3A_680, %broadcast_in_dim3A_24] : memref<128x16xf32, #tpu.memory_space<vmem>>[vector<16xi32>, vector<16xi32>], vector<16xf32>,
      %add3A_742 = arith.constant 1024 : i32
      %add3A_743 = arith.addi %add3A_682, %add3A_742 : i32
      %swap3A_744 = arith.index_cast %add3A_743 : i32 to index
      %swap3A_745 = tpu.vector_load %arg9[%swap3A_744] {strides = array<i32>} : memref<4096xf32, #tpu.memory_space<vmem>>, vector<16xf32>,
      tpu.vector_store %arg9[%swap3A_744], %gather3A_741 {strides = array<i32>} : memref<4096xf32, #tpu.memory_space<vmem>>, vector<16xf32>,
      %gather3A_746 = arith.constant 0 : i32
      %gather3A_747 = tpu.memref_slice %arg8[%mul3A_207, %gather3A_746] : memref<512x16xf32, #tpu.memory_space<vmem>> -> memref<128x16xf32, #tpu.memory_space<vmem>>
      %gather3A_748 = tpu.vector_load_idx %gather3A_747[%add3A_680, %broadcast_in_dim3A_26] : memref<128x16xf32, #tpu.memory_space<vmem>>[vector<16xi32>, vector<16xi32>], vector<16xf32>,
      %add3A_749 = arith.constant 1152 : i32
      %add3A_750 = arith.addi %add3A_682, %add3A_749 : i32
      %swap3A_751 = arith.index_cast %add3A_750 : i32 to index
      %swap3A_752 = tpu.vector_load %arg9[%swap3A_751] {strides = array<i32>} : memref<4096xf32, #tpu.memory_space<vmem>>, vector<16xf32>,
      tpu.vector_store %arg9[%swap3A_751], %gather3A_748 {strides = array<i32>} : memref<4096xf32, #tpu.memory_space<vmem>>, vector<16xf32>,
      %gather3A_753 = arith.constant 0 : i32
      %gather3A_754 = tpu.memref_slice %arg8[%mul3A_207, %gather3A_753] : memref<512x16xf32, #tpu.memory_space<vmem>> -> memref<128x16xf32, #tpu.memory_space<vmem>>
      %gather3A_755 = tpu.vector_load_idx %gather3A_754[%add3A_680, %broadcast_in_dim3A_28] : memref<128x16xf32, #tpu.memory_space<vmem>>[vector<16xi32>, vector<16xi32>], vector<16xf32>,
      %add3A_756 = arith.constant 1280 : i32
      %add3A_757 = arith.addi %add3A_682, %add3A_756 : i32
      %swap3A_758 = arith.index_cast %add3A_757 : i32 to index
      %swap3A_759 = tpu.vector_load %arg9[%swap3A_758] {strides = array<i32>} : memref<4096xf32, #tpu.memory_space<vmem>>, vector<16xf32>,
      tpu.vector_store %arg9[%swap3A_758], %gather3A_755 {strides = array<i32>} : memref<4096xf32, #tpu.memory_space<vmem>>, vector<16xf32>,
      %gather3A_760 = arith.constant 0 : i32
      %gather3A_761 = tpu.memref_slice %arg8[%mul3A_207, %gather3A_760] : memref<512x16xf32, #tpu.memory_space<vmem>> -> memref<128x16xf32, #tpu.memory_space<vmem>>
      %gather3A_762 = tpu.vector_load_idx %gather3A_761[%add3A_680, %broadcast_in_dim3A_30] : memref<128x16xf32, #tpu.memory_space<vmem>>[vector<16xi32>, vector<16xi32>], vector<16xf32>,
      %add3A_763 = arith.constant 1408 : i32
      %add3A_764 = arith.addi %add3A_682, %add3A_763 : i32
      %swap3A_765 = arith.index_cast %add3A_764 : i32 to index
      %swap3A_766 = tpu.vector_load %arg9[%swap3A_765] {strides = array<i32>} : memref<4096xf32, #tpu.memory_space<vmem>>, vector<16xf32>,
      tpu.vector_store %arg9[%swap3A_765], %gather3A_762 {strides = array<i32>} : memref<4096xf32, #tpu.memory_space<vmem>>, vector<16xf32>,
      %gather3A_767 = arith.constant 0 : i32
      %gather3A_768 = tpu.memref_slice %arg8[%mul3A_207, %gather3A_767] : memref<512x16xf32, #tpu.memory_space<vmem>> -> memref<128x16xf32, #tpu.memory_space<vmem>>
      %gather3A_769 = tpu.vector_load_idx %gather3A_768[%add3A_680, %broadcast_in_dim3A_32] : memref<128x16xf32, #tpu.memory_space<vmem>>[vector<16xi32>, vector<16xi32>], vector<16xf32>,
      %add3A_770 = arith.constant 1536 : i32
      %add3A_771 = arith.addi %add3A_682, %add3A_770 : i32
      %swap3A_772 = arith.index_cast %add3A_771 : i32 to index
      %swap3A_773 = tpu.vector_load %arg9[%swap3A_772] {strides = array<i32>} : memref<4096xf32, #tpu.memory_space<vmem>>, vector<16xf32>,
      tpu.vector_store %arg9[%swap3A_772], %gather3A_769 {strides = array<i32>} : memref<4096xf32, #tpu.memory_space<vmem>>, vector<16xf32>,
      %gather3A_774 = arith.constant 0 : i32
      %gather3A_775 = tpu.memref_slice %arg8[%mul3A_207, %gather3A_774] : memref<512x16xf32, #tpu.memory_space<vmem>> -> memref<128x16xf32, #tpu.memory_space<vmem>>
      %gather3A_776 = tpu.vector_load_idx %gather3A_775[%add3A_680, %broadcast_in_dim3A_34] : memref<128x16xf32, #tpu.memory_space<vmem>>[vector<16xi32>, vector<16xi32>], vector<16xf32>,
      %add3A_777 = arith.constant 1664 : i32
      %add3A_778 = arith.addi %add3A_682, %add3A_777 : i32
      %swap3A_779 = arith.index_cast %add3A_778 : i32 to index
      %swap3A_780 = tpu.vector_load %arg9[%swap3A_779] {strides = array<i32>} : memref<4096xf32, #tpu.memory_space<vmem>>, vector<16xf32>,
      tpu.vector_store %arg9[%swap3A_779], %gather3A_776 {strides = array<i32>} : memref<4096xf32, #tpu.memory_space<vmem>>, vector<16xf32>,
      %gather3A_781 = arith.constant 0 : i32
      %gather3A_782 = tpu.memref_slice %arg8[%mul3A_207, %gather3A_781] : memref<512x16xf32, #tpu.memory_space<vmem>> -> memref<128x16xf32, #tpu.memory_space<vmem>>
      %gather3A_783 = tpu.vector_load_idx %gather3A_782[%add3A_680, %broadcast_in_dim3A_36] : memref<128x16xf32, #tpu.memory_space<vmem>>[vector<16xi32>, vector<16xi32>], vector<16xf32>,
      %add3A_784 = arith.constant 1792 : i32
      %add3A_785 = arith.addi %add3A_682, %add3A_784 : i32
      %swap3A_786 = arith.index_cast %add3A_785 : i32 to index
      %swap3A_787 = tpu.vector_load %arg9[%swap3A_786] {strides = array<i32>} : memref<4096xf32, #tpu.memory_space<vmem>>, vector<16xf32>,
      tpu.vector_store %arg9[%swap3A_786], %gather3A_783 {strides = array<i32>} : memref<4096xf32, #tpu.memory_space<vmem>>, vector<16xf32>,
      %gather3A_788 = arith.constant 0 : i32
      %gather3A_789 = tpu.memref_slice %arg8[%mul3A_207, %gather3A_788] : memref<512x16xf32, #tpu.memory_space<vmem>> -> memref<128x16xf32, #tpu.memory_space<vmem>>
      %gather3A_790 = tpu.vector_load_idx %gather3A_789[%add3A_680, %broadcast_in_dim3A_38] : memref<128x16xf32, #tpu.memory_space<vmem>>[vector<16xi32>, vector<16xi32>], vector<16xf32>,
      %add3A_791 = arith.constant 1920 : i32
      %add3A_792 = arith.addi %add3A_682, %add3A_791 : i32
      %swap3A_793 = arith.index_cast %add3A_792 : i32 to index
      %swap3A_794 = tpu.vector_load %arg9[%swap3A_793] {strides = array<i32>} : memref<4096xf32, #tpu.memory_space<vmem>>, vector<16xf32>,
      tpu.vector_store %arg9[%swap3A_793], %gather3A_790 {strides = array<i32>} : memref<4096xf32, #tpu.memory_space<vmem>>, vector<16xf32>,
      %add3A_795 = arith.constant 80 : i32
      %add3A_796 = vector.broadcast %add3A_795 : i32 to vector<16xi32>
      %add3A_797 = arith.addi %iota3A, %add3A_796 : vector<16xi32>
      %add3A_798 = arith.constant 80 : i32
      %add3A_799 = arith.addi %mul3A_211, %add3A_798 : i32
      %gather3A_800 = arith.constant 0 : i32
      %gather3A_801 = tpu.memref_slice %arg8[%mul3A_207, %gather3A_800] : memref<512x16xf32, #tpu.memory_space<vmem>> -> memref<128x16xf32, #tpu.memory_space<vmem>>
      %gather3A_802 = tpu.vector_load_idx %gather3A_801[%add3A_797, %broadcast_in_dim3A_8] : memref<128x16xf32, #tpu.memory_space<vmem>>[vector<16xi32>, vector<16xi32>], vector<16xf32>,
      %add3A_803 = arith.constant 0 : i32
      %add3A_804 = arith.addi %add3A_799, %add3A_803 : i32
      %swap3A_805 = arith.index_cast %add3A_804 : i32 to index
      %swap3A_806 = tpu.vector_load %arg9[%swap3A_805] {strides = array<i32>} : memref<4096xf32, #tpu.memory_space<vmem>>, vector<16xf32>,
      tpu.vector_store %arg9[%swap3A_805], %gather3A_802 {strides = array<i32>} : memref<4096xf32, #tpu.memory_space<vmem>>, vector<16xf32>,
      %gather3A_807 = arith.constant 0 : i32
      %gather3A_808 = tpu.memref_slice %arg8[%mul3A_207, %gather3A_807] : memref<512x16xf32, #tpu.memory_space<vmem>> -> memref<128x16xf32, #tpu.memory_space<vmem>>
      %gather3A_809 = tpu.vector_load_idx %gather3A_808[%add3A_797, %broadcast_in_dim3A_10] : memref<128x16xf32, #tpu.memory_space<vmem>>[vector<16xi32>, vector<16xi32>], vector<16xf32>,
      %add3A_810 = arith.constant 128 : i32
      %add3A_811 = arith.addi %add3A_799, %add3A_810 : i32
      %swap3A_812 = arith.index_cast %add3A_811 : i32 to index
      %swap3A_813 = tpu.vector_load %arg9[%swap3A_812] {strides = array<i32>} : memref<4096xf32, #tpu.memory_space<vmem>>, vector<16xf32>,
      tpu.vector_store %arg9[%swap3A_812], %gather3A_809 {strides = array<i32>} : memref<4096xf32, #tpu.memory_space<vmem>>, vector<16xf32>,
      %gather3A_814 = arith.constant 0 : i32
      %gather3A_815 = tpu.memref_slice %arg8[%mul3A_207, %gather3A_814] : memref<512x16xf32, #tpu.memory_space<vmem>> -> memref<128x16xf32, #tpu.memory_space<vmem>>
      %gather3A_816 = tpu.vector_load_idx %gather3A_815[%add3A_797, %broadcast_in_dim3A_12] : memref<128x16xf32, #tpu.memory_space<vmem>>[vector<16xi32>, vector<16xi32>], vector<16xf32>,
      %add3A_817 = arith.constant 256 : i32
      %add3A_818 = arith.addi %add3A_799, %add3A_817 : i32
      %swap3A_819 = arith.index_cast %add3A_818 : i32 to index
      %swap3A_820 = tpu.vector_load %arg9[%swap3A_819] {strides = array<i32>} : memref<4096xf32, #tpu.memory_space<vmem>>, vector<16xf32>,
      tpu.vector_store %arg9[%swap3A_819], %gather3A_816 {strides = array<i32>} : memref<4096xf32, #tpu.memory_space<vmem>>, vector<16xf32>,
      %gather3A_821 = arith.constant 0 : i32
      %gather3A_822 = tpu.memref_slice %arg8[%mul3A_207, %gather3A_821] : memref<512x16xf32, #tpu.memory_space<vmem>> -> memref<128x16xf32, #tpu.memory_space<vmem>>
      %gather3A_823 = tpu.vector_load_idx %gather3A_822[%add3A_797, %broadcast_in_dim3A_14] : memref<128x16xf32, #tpu.memory_space<vmem>>[vector<16xi32>, vector<16xi32>], vector<16xf32>,
      %add3A_824 = arith.constant 384 : i32
      %add3A_825 = arith.addi %add3A_799, %add3A_824 : i32
      %swap3A_826 = arith.index_cast %add3A_825 : i32 to index
      %swap3A_827 = tpu.vector_load %arg9[%swap3A_826] {strides = array<i32>} : memref<4096xf32, #tpu.memory_space<vmem>>, vector<16xf32>,
      tpu.vector_store %arg9[%swap3A_826], %gather3A_823 {strides = array<i32>} : memref<4096xf32, #tpu.memory_space<vmem>>, vector<16xf32>,
      %gather3A_828 = arith.constant 0 : i32
      %gather3A_829 = tpu.memref_slice %arg8[%mul3A_207, %gather3A_828] : memref<512x16xf32, #tpu.memory_space<vmem>> -> memref<128x16xf32, #tpu.memory_space<vmem>>
      %gather3A_830 = tpu.vector_load_idx %gather3A_829[%add3A_797, %broadcast_in_dim3A_16] : memref<128x16xf32, #tpu.memory_space<vmem>>[vector<16xi32>, vector<16xi32>], vector<16xf32>,
      %add3A_831 = arith.constant 512 : i32
      %add3A_832 = arith.addi %add3A_799, %add3A_831 : i32
      %swap3A_833 = arith.index_cast %add3A_832 : i32 to index
      %swap3A_834 = tpu.vector_load %arg9[%swap3A_833] {strides = array<i32>} : memref<4096xf32, #tpu.memory_space<vmem>>, vector<16xf32>,
      tpu.vector_store %arg9[%swap3A_833], %gather3A_830 {strides = array<i32>} : memref<4096xf32, #tpu.memory_space<vmem>>, vector<16xf32>,
      %gather3A_835 = arith.constant 0 : i32
      %gather3A_836 = tpu.memref_slice %arg8[%mul3A_207, %gather3A_835] : memref<512x16xf32, #tpu.memory_space<vmem>> -> memref<128x16xf32, #tpu.memory_space<vmem>>
      %gather3A_837 = tpu.vector_load_idx %gather3A_836[%add3A_797, %broadcast_in_dim3A_18] : memref<128x16xf32, #tpu.memory_space<vmem>>[vector<16xi32>, vector<16xi32>], vector<16xf32>,
      %add3A_838 = arith.constant 640 : i32
      %add3A_839 = arith.addi %add3A_799, %add3A_838 : i32
      %swap3A_840 = arith.index_cast %add3A_839 : i32 to index
      %swap3A_841 = tpu.vector_load %arg9[%swap3A_840] {strides = array<i32>} : memref<4096xf32, #tpu.memory_space<vmem>>, vector<16xf32>,
      tpu.vector_store %arg9[%swap3A_840], %gather3A_837 {strides = array<i32>} : memref<4096xf32, #tpu.memory_space<vmem>>, vector<16xf32>,
      %gather3A_842 = arith.constant 0 : i32
      %gather3A_843 = tpu.memref_slice %arg8[%mul3A_207, %gather3A_842] : memref<512x16xf32, #tpu.memory_space<vmem>> -> memref<128x16xf32, #tpu.memory_space<vmem>>
      %gather3A_844 = tpu.vector_load_idx %gather3A_843[%add3A_797, %broadcast_in_dim3A_20] : memref<128x16xf32, #tpu.memory_space<vmem>>[vector<16xi32>, vector<16xi32>], vector<16xf32>,
      %add3A_845 = arith.constant 768 : i32
      %add3A_846 = arith.addi %add3A_799, %add3A_845 : i32
      %swap3A_847 = arith.index_cast %add3A_846 : i32 to index
      %swap3A_848 = tpu.vector_load %arg9[%swap3A_847] {strides = array<i32>} : memref<4096xf32, #tpu.memory_space<vmem>>, vector<16xf32>,
      tpu.vector_store %arg9[%swap3A_847], %gather3A_844 {strides = array<i32>} : memref<4096xf32, #tpu.memory_space<vmem>>, vector<16xf32>,
      %gather3A_849 = arith.constant 0 : i32
      %gather3A_850 = tpu.memref_slice %arg8[%mul3A_207, %gather3A_849] : memref<512x16xf32, #tpu.memory_space<vmem>> -> memref<128x16xf32, #tpu.memory_space<vmem>>
      %gather3A_851 = tpu.vector_load_idx %gather3A_850[%add3A_797, %broadcast_in_dim3A_22] : memref<128x16xf32, #tpu.memory_space<vmem>>[vector<16xi32>, vector<16xi32>], vector<16xf32>,
      %add3A_852 = arith.constant 896 : i32
      %add3A_853 = arith.addi %add3A_799, %add3A_852 : i32
      %swap3A_854 = arith.index_cast %add3A_853 : i32 to index
      %swap3A_855 = tpu.vector_load %arg9[%swap3A_854] {strides = array<i32>} : memref<4096xf32, #tpu.memory_space<vmem>>, vector<16xf32>,
      tpu.vector_store %arg9[%swap3A_854], %gather3A_851 {strides = array<i32>} : memref<4096xf32, #tpu.memory_space<vmem>>, vector<16xf32>,
      %gather3A_856 = arith.constant 0 : i32
      %gather3A_857 = tpu.memref_slice %arg8[%mul3A_207, %gather3A_856] : memref<512x16xf32, #tpu.memory_space<vmem>> -> memref<128x16xf32, #tpu.memory_space<vmem>>
      %gather3A_858 = tpu.vector_load_idx %gather3A_857[%add3A_797, %broadcast_in_dim3A_24] : memref<128x16xf32, #tpu.memory_space<vmem>>[vector<16xi32>, vector<16xi32>], vector<16xf32>,
      %add3A_859 = arith.constant 1024 : i32
      %add3A_860 = arith.addi %add3A_799, %add3A_859 : i32
      %swap3A_861 = arith.index_cast %add3A_860 : i32 to index
      %swap3A_862 = tpu.vector_load %arg9[%swap3A_861] {strides = array<i32>} : memref<4096xf32, #tpu.memory_space<vmem>>, vector<16xf32>,
      tpu.vector_store %arg9[%swap3A_861], %gather3A_858 {strides = array<i32>} : memref<4096xf32, #tpu.memory_space<vmem>>, vector<16xf32>,
      %gather3A_863 = arith.constant 0 : i32
      %gather3A_864 = tpu.memref_slice %arg8[%mul3A_207, %gather3A_863] : memref<512x16xf32, #tpu.memory_space<vmem>> -> memref<128x16xf32, #tpu.memory_space<vmem>>
      %gather3A_865 = tpu.vector_load_idx %gather3A_864[%add3A_797, %broadcast_in_dim3A_26] : memref<128x16xf32, #tpu.memory_space<vmem>>[vector<16xi32>, vector<16xi32>], vector<16xf32>,
      %add3A_866 = arith.constant 1152 : i32
      %add3A_867 = arith.addi %add3A_799, %add3A_866 : i32
      %swap3A_868 = arith.index_cast %add3A_867 : i32 to index
      %swap3A_869 = tpu.vector_load %arg9[%swap3A_868] {strides = array<i32>} : memref<4096xf32, #tpu.memory_space<vmem>>, vector<16xf32>,
      tpu.vector_store %arg9[%swap3A_868], %gather3A_865 {strides = array<i32>} : memref<4096xf32, #tpu.memory_space<vmem>>, vector<16xf32>,
      %gather3A_870 = arith.constant 0 : i32
      %gather3A_871 = tpu.memref_slice %arg8[%mul3A_207, %gather3A_870] : memref<512x16xf32, #tpu.memory_space<vmem>> -> memref<128x16xf32, #tpu.memory_space<vmem>>
      %gather3A_872 = tpu.vector_load_idx %gather3A_871[%add3A_797, %broadcast_in_dim3A_28] : memref<128x16xf32, #tpu.memory_space<vmem>>[vector<16xi32>, vector<16xi32>], vector<16xf32>,
      %add3A_873 = arith.constant 1280 : i32
      %add3A_874 = arith.addi %add3A_799, %add3A_873 : i32
      %swap3A_875 = arith.index_cast %add3A_874 : i32 to index
      %swap3A_876 = tpu.vector_load %arg9[%swap3A_875] {strides = array<i32>} : memref<4096xf32, #tpu.memory_space<vmem>>, vector<16xf32>,
      tpu.vector_store %arg9[%swap3A_875], %gather3A_872 {strides = array<i32>} : memref<4096xf32, #tpu.memory_space<vmem>>, vector<16xf32>,
      %gather3A_877 = arith.constant 0 : i32
      %gather3A_878 = tpu.memref_slice %arg8[%mul3A_207, %gather3A_877] : memref<512x16xf32, #tpu.memory_space<vmem>> -> memref<128x16xf32, #tpu.memory_space<vmem>>
      %gather3A_879 = tpu.vector_load_idx %gather3A_878[%add3A_797, %broadcast_in_dim3A_30] : memref<128x16xf32, #tpu.memory_space<vmem>>[vector<16xi32>, vector<16xi32>], vector<16xf32>,
      %add3A_880 = arith.constant 1408 : i32
      %add3A_881 = arith.addi %add3A_799, %add3A_880 : i32
      %swap3A_882 = arith.index_cast %add3A_881 : i32 to index
      %swap3A_883 = tpu.vector_load %arg9[%swap3A_882] {strides = array<i32>} : memref<4096xf32, #tpu.memory_space<vmem>>, vector<16xf32>,
      tpu.vector_store %arg9[%swap3A_882], %gather3A_879 {strides = array<i32>} : memref<4096xf32, #tpu.memory_space<vmem>>, vector<16xf32>,
      %gather3A_884 = arith.constant 0 : i32
      %gather3A_885 = tpu.memref_slice %arg8[%mul3A_207, %gather3A_884] : memref<512x16xf32, #tpu.memory_space<vmem>> -> memref<128x16xf32, #tpu.memory_space<vmem>>
      %gather3A_886 = tpu.vector_load_idx %gather3A_885[%add3A_797, %broadcast_in_dim3A_32] : memref<128x16xf32, #tpu.memory_space<vmem>>[vector<16xi32>, vector<16xi32>], vector<16xf32>,
      %add3A_887 = arith.constant 1536 : i32
      %add3A_888 = arith.addi %add3A_799, %add3A_887 : i32
      %swap3A_889 = arith.index_cast %add3A_888 : i32 to index
      %swap3A_890 = tpu.vector_load %arg9[%swap3A_889] {strides = array<i32>} : memref<4096xf32, #tpu.memory_space<vmem>>, vector<16xf32>,
      tpu.vector_store %arg9[%swap3A_889], %gather3A_886 {strides = array<i32>} : memref<4096xf32, #tpu.memory_space<vmem>>, vector<16xf32>,
      %gather3A_891 = arith.constant 0 : i32
      %gather3A_892 = tpu.memref_slice %arg8[%mul3A_207, %gather3A_891] : memref<512x16xf32, #tpu.memory_space<vmem>> -> memref<128x16xf32, #tpu.memory_space<vmem>>
      %gather3A_893 = tpu.vector_load_idx %gather3A_892[%add3A_797, %broadcast_in_dim3A_34] : memref<128x16xf32, #tpu.memory_space<vmem>>[vector<16xi32>, vector<16xi32>], vector<16xf32>,
      %add3A_894 = arith.constant 1664 : i32
      %add3A_895 = arith.addi %add3A_799, %add3A_894 : i32
      %swap3A_896 = arith.index_cast %add3A_895 : i32 to index
      %swap3A_897 = tpu.vector_load %arg9[%swap3A_896] {strides = array<i32>} : memref<4096xf32, #tpu.memory_space<vmem>>, vector<16xf32>,
      tpu.vector_store %arg9[%swap3A_896], %gather3A_893 {strides = array<i32>} : memref<4096xf32, #tpu.memory_space<vmem>>, vector<16xf32>,
      %gather3A_898 = arith.constant 0 : i32
      %gather3A_899 = tpu.memref_slice %arg8[%mul3A_207, %gather3A_898] : memref<512x16xf32, #tpu.memory_space<vmem>> -> memref<128x16xf32, #tpu.memory_space<vmem>>
      %gather3A_900 = tpu.vector_load_idx %gather3A_899[%add3A_797, %broadcast_in_dim3A_36] : memref<128x16xf32, #tpu.memory_space<vmem>>[vector<16xi32>, vector<16xi32>], vector<16xf32>,
      %add3A_901 = arith.constant 1792 : i32
      %add3A_902 = arith.addi %add3A_799, %add3A_901 : i32
      %swap3A_903 = arith.index_cast %add3A_902 : i32 to index
      %swap3A_904 = tpu.vector_load %arg9[%swap3A_903] {strides = array<i32>} : memref<4096xf32, #tpu.memory_space<vmem>>, vector<16xf32>,
      tpu.vector_store %arg9[%swap3A_903], %gather3A_900 {strides = array<i32>} : memref<4096xf32, #tpu.memory_space<vmem>>, vector<16xf32>,
      %gather3A_905 = arith.constant 0 : i32
      %gather3A_906 = tpu.memref_slice %arg8[%mul3A_207, %gather3A_905] : memref<512x16xf32, #tpu.memory_space<vmem>> -> memref<128x16xf32, #tpu.memory_space<vmem>>
      %gather3A_907 = tpu.vector_load_idx %gather3A_906[%add3A_797, %broadcast_in_dim3A_38] : memref<128x16xf32, #tpu.memory_space<vmem>>[vector<16xi32>, vector<16xi32>], vector<16xf32>,
      %add3A_908 = arith.constant 1920 : i32
      %add3A_909 = arith.addi %add3A_799, %add3A_908 : i32
      %swap3A_910 = arith.index_cast %add3A_909 : i32 to index
      %swap3A_911 = tpu.vector_load %arg9[%swap3A_910] {strides = array<i32>} : memref<4096xf32, #tpu.memory_space<vmem>>, vector<16xf32>,
      tpu.vector_store %arg9[%swap3A_910], %gather3A_907 {strides = array<i32>} : memref<4096xf32, #tpu.memory_space<vmem>>, vector<16xf32>,
      %add3A_912 = arith.constant 96 : i32
      %add3A_913 = vector.broadcast %add3A_912 : i32 to vector<16xi32>
      %add3A_914 = arith.addi %iota3A, %add3A_913 : vector<16xi32>
      %add3A_915 = arith.constant 96 : i32
      %add3A_916 = arith.addi %mul3A_211, %add3A_915 : i32
      %gather3A_917 = arith.constant 0 : i32
      %gather3A_918 = tpu.memref_slice %arg8[%mul3A_207, %gather3A_917] : memref<512x16xf32, #tpu.memory_space<vmem>> -> memref<128x16xf32, #tpu.memory_space<vmem>>
      %gather3A_919 = tpu.vector_load_idx %gather3A_918[%add3A_914, %broadcast_in_dim3A_8] : memref<128x16xf32, #tpu.memory_space<vmem>>[vector<16xi32>, vector<16xi32>], vector<16xf32>,
      %add3A_920 = arith.constant 0 : i32
      %add3A_921 = arith.addi %add3A_916, %add3A_920 : i32
      %swap3A_922 = arith.index_cast %add3A_921 : i32 to index
      %swap3A_923 = tpu.vector_load %arg9[%swap3A_922] {strides = array<i32>} : memref<4096xf32, #tpu.memory_space<vmem>>, vector<16xf32>,
      tpu.vector_store %arg9[%swap3A_922], %gather3A_919 {strides = array<i32>} : memref<4096xf32, #tpu.memory_space<vmem>>, vector<16xf32>,
      %gather3A_924 = arith.constant 0 : i32
      %gather3A_925 = tpu.memref_slice %arg8[%mul3A_207, %gather3A_924] : memref<512x16xf32, #tpu.memory_space<vmem>> -> memref<128x16xf32, #tpu.memory_space<vmem>>
      %gather3A_926 = tpu.vector_load_idx %gather3A_925[%add3A_914, %broadcast_in_dim3A_10] : memref<128x16xf32, #tpu.memory_space<vmem>>[vector<16xi32>, vector<16xi32>], vector<16xf32>,
      %add3A_927 = arith.constant 128 : i32
      %add3A_928 = arith.addi %add3A_916, %add3A_927 : i32
      %swap3A_929 = arith.index_cast %add3A_928 : i32 to index
      %swap3A_930 = tpu.vector_load %arg9[%swap3A_929] {strides = array<i32>} : memref<4096xf32, #tpu.memory_space<vmem>>, vector<16xf32>,
      tpu.vector_store %arg9[%swap3A_929], %gather3A_926 {strides = array<i32>} : memref<4096xf32, #tpu.memory_space<vmem>>, vector<16xf32>,
      %gather3A_931 = arith.constant 0 : i32
      %gather3A_932 = tpu.memref_slice %arg8[%mul3A_207, %gather3A_931] : memref<512x16xf32, #tpu.memory_space<vmem>> -> memref<128x16xf32, #tpu.memory_space<vmem>>
      %gather3A_933 = tpu.vector_load_idx %gather3A_932[%add3A_914, %broadcast_in_dim3A_12] : memref<128x16xf32, #tpu.memory_space<vmem>>[vector<16xi32>, vector<16xi32>], vector<16xf32>,
      %add3A_934 = arith.constant 256 : i32
      %add3A_935 = arith.addi %add3A_916, %add3A_934 : i32
      %swap3A_936 = arith.index_cast %add3A_935 : i32 to index
      %swap3A_937 = tpu.vector_load %arg9[%swap3A_936] {strides = array<i32>} : memref<4096xf32, #tpu.memory_space<vmem>>, vector<16xf32>,
      tpu.vector_store %arg9[%swap3A_936], %gather3A_933 {strides = array<i32>} : memref<4096xf32, #tpu.memory_space<vmem>>, vector<16xf32>,
      %gather3A_938 = arith.constant 0 : i32
      %gather3A_939 = tpu.memref_slice %arg8[%mul3A_207, %gather3A_938] : memref<512x16xf32, #tpu.memory_space<vmem>> -> memref<128x16xf32, #tpu.memory_space<vmem>>
      %gather3A_940 = tpu.vector_load_idx %gather3A_939[%add3A_914, %broadcast_in_dim3A_14] : memref<128x16xf32, #tpu.memory_space<vmem>>[vector<16xi32>, vector<16xi32>], vector<16xf32>,
      %add3A_941 = arith.constant 384 : i32
      %add3A_942 = arith.addi %add3A_916, %add3A_941 : i32
      %swap3A_943 = arith.index_cast %add3A_942 : i32 to index
      %swap3A_944 = tpu.vector_load %arg9[%swap3A_943] {strides = array<i32>} : memref<4096xf32, #tpu.memory_space<vmem>>, vector<16xf32>,
      tpu.vector_store %arg9[%swap3A_943], %gather3A_940 {strides = array<i32>} : memref<4096xf32, #tpu.memory_space<vmem>>, vector<16xf32>,
      %gather3A_945 = arith.constant 0 : i32
      %gather3A_946 = tpu.memref_slice %arg8[%mul3A_207, %gather3A_945] : memref<512x16xf32, #tpu.memory_space<vmem>> -> memref<128x16xf32, #tpu.memory_space<vmem>>
      %gather3A_947 = tpu.vector_load_idx %gather3A_946[%add3A_914, %broadcast_in_dim3A_16] : memref<128x16xf32, #tpu.memory_space<vmem>>[vector<16xi32>, vector<16xi32>], vector<16xf32>,
      %add3A_948 = arith.constant 512 : i32
      %add3A_949 = arith.addi %add3A_916, %add3A_948 : i32
      %swap3A_950 = arith.index_cast %add3A_949 : i32 to index
      %swap3A_951 = tpu.vector_load %arg9[%swap3A_950] {strides = array<i32>} : memref<4096xf32, #tpu.memory_space<vmem>>, vector<16xf32>,
      tpu.vector_store %arg9[%swap3A_950], %gather3A_947 {strides = array<i32>} : memref<4096xf32, #tpu.memory_space<vmem>>, vector<16xf32>,
      %gather3A_952 = arith.constant 0 : i32
      %gather3A_953 = tpu.memref_slice %arg8[%mul3A_207, %gather3A_952] : memref<512x16xf32, #tpu.memory_space<vmem>> -> memref<128x16xf32, #tpu.memory_space<vmem>>
      %gather3A_954 = tpu.vector_load_idx %gather3A_953[%add3A_914, %broadcast_in_dim3A_18] : memref<128x16xf32, #tpu.memory_space<vmem>>[vector<16xi32>, vector<16xi32>], vector<16xf32>,
      %add3A_955 = arith.constant 640 : i32
      %add3A_956 = arith.addi %add3A_916, %add3A_955 : i32
      %swap3A_957 = arith.index_cast %add3A_956 : i32 to index
      %swap3A_958 = tpu.vector_load %arg9[%swap3A_957] {strides = array<i32>} : memref<4096xf32, #tpu.memory_space<vmem>>, vector<16xf32>,
      tpu.vector_store %arg9[%swap3A_957], %gather3A_954 {strides = array<i32>} : memref<4096xf32, #tpu.memory_space<vmem>>, vector<16xf32>,
      %gather3A_959 = arith.constant 0 : i32
      %gather3A_960 = tpu.memref_slice %arg8[%mul3A_207, %gather3A_959] : memref<512x16xf32, #tpu.memory_space<vmem>> -> memref<128x16xf32, #tpu.memory_space<vmem>>
      %gather3A_961 = tpu.vector_load_idx %gather3A_960[%add3A_914, %broadcast_in_dim3A_20] : memref<128x16xf32, #tpu.memory_space<vmem>>[vector<16xi32>, vector<16xi32>], vector<16xf32>,
      %add3A_962 = arith.constant 768 : i32
      %add3A_963 = arith.addi %add3A_916, %add3A_962 : i32
      %swap3A_964 = arith.index_cast %add3A_963 : i32 to index
      %swap3A_965 = tpu.vector_load %arg9[%swap3A_964] {strides = array<i32>} : memref<4096xf32, #tpu.memory_space<vmem>>, vector<16xf32>,
      tpu.vector_store %arg9[%swap3A_964], %gather3A_961 {strides = array<i32>} : memref<4096xf32, #tpu.memory_space<vmem>>, vector<16xf32>,
      %gather3A_966 = arith.constant 0 : i32
      %gather3A_967 = tpu.memref_slice %arg8[%mul3A_207, %gather3A_966] : memref<512x16xf32, #tpu.memory_space<vmem>> -> memref<128x16xf32, #tpu.memory_space<vmem>>
      %gather3A_968 = tpu.vector_load_idx %gather3A_967[%add3A_914, %broadcast_in_dim3A_22] : memref<128x16xf32, #tpu.memory_space<vmem>>[vector<16xi32>, vector<16xi32>], vector<16xf32>,
      %add3A_969 = arith.constant 896 : i32
      %add3A_970 = arith.addi %add3A_916, %add3A_969 : i32
      %swap3A_971 = arith.index_cast %add3A_970 : i32 to index
      %swap3A_972 = tpu.vector_load %arg9[%swap3A_971] {strides = array<i32>} : memref<4096xf32, #tpu.memory_space<vmem>>, vector<16xf32>,
      tpu.vector_store %arg9[%swap3A_971], %gather3A_968 {strides = array<i32>} : memref<4096xf32, #tpu.memory_space<vmem>>, vector<16xf32>,
      %gather3A_973 = arith.constant 0 : i32
      %gather3A_974 = tpu.memref_slice %arg8[%mul3A_207, %gather3A_973] : memref<512x16xf32, #tpu.memory_space<vmem>> -> memref<128x16xf32, #tpu.memory_space<vmem>>
      %gather3A_975 = tpu.vector_load_idx %gather3A_974[%add3A_914, %broadcast_in_dim3A_24] : memref<128x16xf32, #tpu.memory_space<vmem>>[vector<16xi32>, vector<16xi32>], vector<16xf32>,
      %add3A_976 = arith.constant 1024 : i32
      %add3A_977 = arith.addi %add3A_916, %add3A_976 : i32
      %swap3A_978 = arith.index_cast %add3A_977 : i32 to index
      %swap3A_979 = tpu.vector_load %arg9[%swap3A_978] {strides = array<i32>} : memref<4096xf32, #tpu.memory_space<vmem>>, vector<16xf32>,
      tpu.vector_store %arg9[%swap3A_978], %gather3A_975 {strides = array<i32>} : memref<4096xf32, #tpu.memory_space<vmem>>, vector<16xf32>,
      %gather3A_980 = arith.constant 0 : i32
      %gather3A_981 = tpu.memref_slice %arg8[%mul3A_207, %gather3A_980] : memref<512x16xf32, #tpu.memory_space<vmem>> -> memref<128x16xf32, #tpu.memory_space<vmem>>
      %gather3A_982 = tpu.vector_load_idx %gather3A_981[%add3A_914, %broadcast_in_dim3A_26] : memref<128x16xf32, #tpu.memory_space<vmem>>[vector<16xi32>, vector<16xi32>], vector<16xf32>,
      %add3A_983 = arith.constant 1152 : i32
      %add3A_984 = arith.addi %add3A_916, %add3A_983 : i32
      %swap3A_985 = arith.index_cast %add3A_984 : i32 to index
      %swap3A_986 = tpu.vector_load %arg9[%swap3A_985] {strides = array<i32>} : memref<4096xf32, #tpu.memory_space<vmem>>, vector<16xf32>,
      tpu.vector_store %arg9[%swap3A_985], %gather3A_982 {strides = array<i32>} : memref<4096xf32, #tpu.memory_space<vmem>>, vector<16xf32>,
      %gather3A_987 = arith.constant 0 : i32
      %gather3A_988 = tpu.memref_slice %arg8[%mul3A_207, %gather3A_987] : memref<512x16xf32, #tpu.memory_space<vmem>> -> memref<128x16xf32, #tpu.memory_space<vmem>>
      %gather3A_989 = tpu.vector_load_idx %gather3A_988[%add3A_914, %broadcast_in_dim3A_28] : memref<128x16xf32, #tpu.memory_space<vmem>>[vector<16xi32>, vector<16xi32>], vector<16xf32>,
      %add3A_990 = arith.constant 1280 : i32
      %add3A_991 = arith.addi %add3A_916, %add3A_990 : i32
      %swap3A_992 = arith.index_cast %add3A_991 : i32 to index
      %swap3A_993 = tpu.vector_load %arg9[%swap3A_992] {strides = array<i32>} : memref<4096xf32, #tpu.memory_space<vmem>>, vector<16xf32>,
      tpu.vector_store %arg9[%swap3A_992], %gather3A_989 {strides = array<i32>} : memref<4096xf32, #tpu.memory_space<vmem>>, vector<16xf32>,
      %gather3A_994 = arith.constant 0 : i32
      %gather3A_995 = tpu.memref_slice %arg8[%mul3A_207, %gather3A_994] : memref<512x16xf32, #tpu.memory_space<vmem>> -> memref<128x16xf32, #tpu.memory_space<vmem>>
      %gather3A_996 = tpu.vector_load_idx %gather3A_995[%add3A_914, %broadcast_in_dim3A_30] : memref<128x16xf32, #tpu.memory_space<vmem>>[vector<16xi32>, vector<16xi32>], vector<16xf32>,
      %add3A_997 = arith.constant 1408 : i32
      %add3A_998 = arith.addi %add3A_916, %add3A_997 : i32
      %swap3A_999 = arith.index_cast %add3A_998 : i32 to index
      %swap3A_1000 = tpu.vector_load %arg9[%swap3A_999] {strides = array<i32>} : memref<4096xf32, #tpu.memory_space<vmem>>, vector<16xf32>,
      tpu.vector_store %arg9[%swap3A_999], %gather3A_996 {strides = array<i32>} : memref<4096xf32, #tpu.memory_space<vmem>>, vector<16xf32>,
      %gather3A_1001 = arith.constant 0 : i32
      %gather3A_1002 = tpu.memref_slice %arg8[%mul3A_207, %gather3A_1001] : memref<512x16xf32, #tpu.memory_space<vmem>> -> memref<128x16xf32, #tpu.memory_space<vmem>>
      %gather3A_1003 = tpu.vector_load_idx %gather3A_1002[%add3A_914, %broadcast_in_dim3A_32] : memref<128x16xf32, #tpu.memory_space<vmem>>[vector<16xi32>, vector<16xi32>], vector<16xf32>,
      %add3A_1004 = arith.constant 1536 : i32
      %add3A_1005 = arith.addi %add3A_916, %add3A_1004 : i32
      %swap3A_1006 = arith.index_cast %add3A_1005 : i32 to index
      %swap3A_1007 = tpu.vector_load %arg9[%swap3A_1006] {strides = array<i32>} : memref<4096xf32, #tpu.memory_space<vmem>>, vector<16xf32>,
      tpu.vector_store %arg9[%swap3A_1006], %gather3A_1003 {strides = array<i32>} : memref<4096xf32, #tpu.memory_space<vmem>>, vector<16xf32>,
      %gather3A_1008 = arith.constant 0 : i32
      %gather3A_1009 = tpu.memref_slice %arg8[%mul3A_207, %gather3A_1008] : memref<512x16xf32, #tpu.memory_space<vmem>> -> memref<128x16xf32, #tpu.memory_space<vmem>>
      %gather3A_1010 = tpu.vector_load_idx %gather3A_1009[%add3A_914, %broadcast_in_dim3A_34] : memref<128x16xf32, #tpu.memory_space<vmem>>[vector<16xi32>, vector<16xi32>], vector<16xf32>,
      %add3A_1011 = arith.constant 1664 : i32
      %add3A_1012 = arith.addi %add3A_916, %add3A_1011 : i32
      %swap3A_1013 = arith.index_cast %add3A_1012 : i32 to index
      %swap3A_1014 = tpu.vector_load %arg9[%swap3A_1013] {strides = array<i32>} : memref<4096xf32, #tpu.memory_space<vmem>>, vector<16xf32>,
      tpu.vector_store %arg9[%swap3A_1013], %gather3A_1010 {strides = array<i32>} : memref<4096xf32, #tpu.memory_space<vmem>>, vector<16xf32>,
      %gather3A_1015 = arith.constant 0 : i32
      %gather3A_1016 = tpu.memref_slice %arg8[%mul3A_207, %gather3A_1015] : memref<512x16xf32, #tpu.memory_space<vmem>> -> memref<128x16xf32, #tpu.memory_space<vmem>>
      %gather3A_1017 = tpu.vector_load_idx %gather3A_1016[%add3A_914, %broadcast_in_dim3A_36] : memref<128x16xf32, #tpu.memory_space<vmem>>[vector<16xi32>, vector<16xi32>], vector<16xf32>,
      %add3A_1018 = arith.constant 1792 : i32
      %add3A_1019 = arith.addi %add3A_916, %add3A_1018 : i32
      %swap3A_1020 = arith.index_cast %add3A_1019 : i32 to index
      %swap3A_1021 = tpu.vector_load %arg9[%swap3A_1020] {strides = array<i32>} : memref<4096xf32, #tpu.memory_space<vmem>>, vector<16xf32>,
      tpu.vector_store %arg9[%swap3A_1020], %gather3A_1017 {strides = array<i32>} : memref<4096xf32, #tpu.memory_space<vmem>>, vector<16xf32>,
      %gather3A_1022 = arith.constant 0 : i32
      %gather3A_1023 = tpu.memref_slice %arg8[%mul3A_207, %gather3A_1022] : memref<512x16xf32, #tpu.memory_space<vmem>> -> memref<128x16xf32, #tpu.memory_space<vmem>>
      %gather3A_1024 = tpu.vector_load_idx %gather3A_1023[%add3A_914, %broadcast_in_dim3A_38] : memref<128x16xf32, #tpu.memory_space<vmem>>[vector<16xi32>, vector<16xi32>], vector<16xf32>,
      %add3A_1025 = arith.constant 1920 : i32
      %add3A_1026 = arith.addi %add3A_916, %add3A_1025 : i32
      %swap3A_1027 = arith.index_cast %add3A_1026 : i32 to index
      %swap3A_1028 = tpu.vector_load %arg9[%swap3A_1027] {strides = array<i32>} : memref<4096xf32, #tpu.memory_space<vmem>>, vector<16xf32>,
      tpu.vector_store %arg9[%swap3A_1027], %gather3A_1024 {strides = array<i32>} : memref<4096xf32, #tpu.memory_space<vmem>>, vector<16xf32>,
      %add3A_1029 = arith.constant 112 : i32
      %add3A_1030 = vector.broadcast %add3A_1029 : i32 to vector<16xi32>
      %add3A_1031 = arith.addi %iota3A, %add3A_1030 : vector<16xi32>
      %add3A_1032 = arith.constant 112 : i32
      %add3A_1033 = arith.addi %mul3A_211, %add3A_1032 : i32
      %gather3A_1034 = arith.constant 0 : i32
      %gather3A_1035 = tpu.memref_slice %arg8[%mul3A_207, %gather3A_1034] : memref<512x16xf32, #tpu.memory_space<vmem>> -> memref<128x16xf32, #tpu.memory_space<vmem>>
      %gather3A_1036 = tpu.vector_load_idx %gather3A_1035[%add3A_1031, %broadcast_in_dim3A_8] : memref<128x16xf32, #tpu.memory_space<vmem>>[vector<16xi32>, vector<16xi32>], vector<16xf32>,
      %add3A_1037 = arith.constant 0 : i32
      %add3A_1038 = arith.addi %add3A_1033, %add3A_1037 : i32
      %swap3A_1039 = arith.index_cast %add3A_1038 : i32 to index
      %swap3A_1040 = tpu.vector_load %arg9[%swap3A_1039] {strides = array<i32>} : memref<4096xf32, #tpu.memory_space<vmem>>, vector<16xf32>,
      tpu.vector_store %arg9[%swap3A_1039], %gather3A_1036 {strides = array<i32>} : memref<4096xf32, #tpu.memory_space<vmem>>, vector<16xf32>,
      %gather3A_1041 = arith.constant 0 : i32
      %gather3A_1042 = tpu.memref_slice %arg8[%mul3A_207, %gather3A_1041] : memref<512x16xf32, #tpu.memory_space<vmem>> -> memref<128x16xf32, #tpu.memory_space<vmem>>
      %gather3A_1043 = tpu.vector_load_idx %gather3A_1042[%add3A_1031, %broadcast_in_dim3A_10] : memref<128x16xf32, #tpu.memory_space<vmem>>[vector<16xi32>, vector<16xi32>], vector<16xf32>,
      %add3A_1044 = arith.constant 128 : i32
      %add3A_1045 = arith.addi %add3A_1033, %add3A_1044 : i32
      %swap3A_1046 = arith.index_cast %add3A_1045 : i32 to index
      %swap3A_1047 = tpu.vector_load %arg9[%swap3A_1046] {strides = array<i32>} : memref<4096xf32, #tpu.memory_space<vmem>>, vector<16xf32>,
      tpu.vector_store %arg9[%swap3A_1046], %gather3A_1043 {strides = array<i32>} : memref<4096xf32, #tpu.memory_space<vmem>>, vector<16xf32>,
      %gather3A_1048 = arith.constant 0 : i32
      %gather3A_1049 = tpu.memref_slice %arg8[%mul3A_207, %gather3A_1048] : memref<512x16xf32, #tpu.memory_space<vmem>> -> memref<128x16xf32, #tpu.memory_space<vmem>>
      %gather3A_1050 = tpu.vector_load_idx %gather3A_1049[%add3A_1031, %broadcast_in_dim3A_12] : memref<128x16xf32, #tpu.memory_space<vmem>>[vector<16xi32>, vector<16xi32>], vector<16xf32>,
      %add3A_1051 = arith.constant 256 : i32
      %add3A_1052 = arith.addi %add3A_1033, %add3A_1051 : i32
      %swap3A_1053 = arith.index_cast %add3A_1052 : i32 to index
      %swap3A_1054 = tpu.vector_load %arg9[%swap3A_1053] {strides = array<i32>} : memref<4096xf32, #tpu.memory_space<vmem>>, vector<16xf32>,
      tpu.vector_store %arg9[%swap3A_1053], %gather3A_1050 {strides = array<i32>} : memref<4096xf32, #tpu.memory_space<vmem>>, vector<16xf32>,
      %gather3A_1055 = arith.constant 0 : i32
      %gather3A_1056 = tpu.memref_slice %arg8[%mul3A_207, %gather3A_1055] : memref<512x16xf32, #tpu.memory_space<vmem>> -> memref<128x16xf32, #tpu.memory_space<vmem>>
      %gather3A_1057 = tpu.vector_load_idx %gather3A_1056[%add3A_1031, %broadcast_in_dim3A_14] : memref<128x16xf32, #tpu.memory_space<vmem>>[vector<16xi32>, vector<16xi32>], vector<16xf32>,
      %add3A_1058 = arith.constant 384 : i32
      %add3A_1059 = arith.addi %add3A_1033, %add3A_1058 : i32
      %swap3A_1060 = arith.index_cast %add3A_1059 : i32 to index
      %swap3A_1061 = tpu.vector_load %arg9[%swap3A_1060] {strides = array<i32>} : memref<4096xf32, #tpu.memory_space<vmem>>, vector<16xf32>,
      tpu.vector_store %arg9[%swap3A_1060], %gather3A_1057 {strides = array<i32>} : memref<4096xf32, #tpu.memory_space<vmem>>, vector<16xf32>,
      %gather3A_1062 = arith.constant 0 : i32
      %gather3A_1063 = tpu.memref_slice %arg8[%mul3A_207, %gather3A_1062] : memref<512x16xf32, #tpu.memory_space<vmem>> -> memref<128x16xf32, #tpu.memory_space<vmem>>
      %gather3A_1064 = tpu.vector_load_idx %gather3A_1063[%add3A_1031, %broadcast_in_dim3A_16] : memref<128x16xf32, #tpu.memory_space<vmem>>[vector<16xi32>, vector<16xi32>], vector<16xf32>,
      %add3A_1065 = arith.constant 512 : i32
      %add3A_1066 = arith.addi %add3A_1033, %add3A_1065 : i32
      %swap3A_1067 = arith.index_cast %add3A_1066 : i32 to index
      %swap3A_1068 = tpu.vector_load %arg9[%swap3A_1067] {strides = array<i32>} : memref<4096xf32, #tpu.memory_space<vmem>>, vector<16xf32>,
      tpu.vector_store %arg9[%swap3A_1067], %gather3A_1064 {strides = array<i32>} : memref<4096xf32, #tpu.memory_space<vmem>>, vector<16xf32>,
      %gather3A_1069 = arith.constant 0 : i32
      %gather3A_1070 = tpu.memref_slice %arg8[%mul3A_207, %gather3A_1069] : memref<512x16xf32, #tpu.memory_space<vmem>> -> memref<128x16xf32, #tpu.memory_space<vmem>>
      %gather3A_1071 = tpu.vector_load_idx %gather3A_1070[%add3A_1031, %broadcast_in_dim3A_18] : memref<128x16xf32, #tpu.memory_space<vmem>>[vector<16xi32>, vector<16xi32>], vector<16xf32>,
      %add3A_1072 = arith.constant 640 : i32
      %add3A_1073 = arith.addi %add3A_1033, %add3A_1072 : i32
      %swap3A_1074 = arith.index_cast %add3A_1073 : i32 to index
      %swap3A_1075 = tpu.vector_load %arg9[%swap3A_1074] {strides = array<i32>} : memref<4096xf32, #tpu.memory_space<vmem>>, vector<16xf32>,
      tpu.vector_store %arg9[%swap3A_1074], %gather3A_1071 {strides = array<i32>} : memref<4096xf32, #tpu.memory_space<vmem>>, vector<16xf32>,
      %gather3A_1076 = arith.constant 0 : i32
      %gather3A_1077 = tpu.memref_slice %arg8[%mul3A_207, %gather3A_1076] : memref<512x16xf32, #tpu.memory_space<vmem>> -> memref<128x16xf32, #tpu.memory_space<vmem>>
      %gather3A_1078 = tpu.vector_load_idx %gather3A_1077[%add3A_1031, %broadcast_in_dim3A_20] : memref<128x16xf32, #tpu.memory_space<vmem>>[vector<16xi32>, vector<16xi32>], vector<16xf32>,
      %add3A_1079 = arith.constant 768 : i32
      %add3A_1080 = arith.addi %add3A_1033, %add3A_1079 : i32
      %swap3A_1081 = arith.index_cast %add3A_1080 : i32 to index
      %swap3A_1082 = tpu.vector_load %arg9[%swap3A_1081] {strides = array<i32>} : memref<4096xf32, #tpu.memory_space<vmem>>, vector<16xf32>,
      tpu.vector_store %arg9[%swap3A_1081], %gather3A_1078 {strides = array<i32>} : memref<4096xf32, #tpu.memory_space<vmem>>, vector<16xf32>,
      %gather3A_1083 = arith.constant 0 : i32
      %gather3A_1084 = tpu.memref_slice %arg8[%mul3A_207, %gather3A_1083] : memref<512x16xf32, #tpu.memory_space<vmem>> -> memref<128x16xf32, #tpu.memory_space<vmem>>
      %gather3A_1085 = tpu.vector_load_idx %gather3A_1084[%add3A_1031, %broadcast_in_dim3A_22] : memref<128x16xf32, #tpu.memory_space<vmem>>[vector<16xi32>, vector<16xi32>], vector<16xf32>,
      %add3A_1086 = arith.constant 896 : i32
      %add3A_1087 = arith.addi %add3A_1033, %add3A_1086 : i32
      %swap3A_1088 = arith.index_cast %add3A_1087 : i32 to index
      %swap3A_1089 = tpu.vector_load %arg9[%swap3A_1088] {strides = array<i32>} : memref<4096xf32, #tpu.memory_space<vmem>>, vector<16xf32>,
      tpu.vector_store %arg9[%swap3A_1088], %gather3A_1085 {strides = array<i32>} : memref<4096xf32, #tpu.memory_space<vmem>>, vector<16xf32>,
      %gather3A_1090 = arith.constant 0 : i32
      %gather3A_1091 = tpu.memref_slice %arg8[%mul3A_207, %gather3A_1090] : memref<512x16xf32, #tpu.memory_space<vmem>> -> memref<128x16xf32, #tpu.memory_space<vmem>>
      %gather3A_1092 = tpu.vector_load_idx %gather3A_1091[%add3A_1031, %broadcast_in_dim3A_24] : memref<128x16xf32, #tpu.memory_space<vmem>>[vector<16xi32>, vector<16xi32>], vector<16xf32>,
      %add3A_1093 = arith.constant 1024 : i32
      %add3A_1094 = arith.addi %add3A_1033, %add3A_1093 : i32
      %swap3A_1095 = arith.index_cast %add3A_1094 : i32 to index
      %swap3A_1096 = tpu.vector_load %arg9[%swap3A_1095] {strides = array<i32>} : memref<4096xf32, #tpu.memory_space<vmem>>, vector<16xf32>,
      tpu.vector_store %arg9[%swap3A_1095], %gather3A_1092 {strides = array<i32>} : memref<4096xf32, #tpu.memory_space<vmem>>, vector<16xf32>,
      %gather3A_1097 = arith.constant 0 : i32
      %gather3A_1098 = tpu.memref_slice %arg8[%mul3A_207, %gather3A_1097] : memref<512x16xf32, #tpu.memory_space<vmem>> -> memref<128x16xf32, #tpu.memory_space<vmem>>
      %gather3A_1099 = tpu.vector_load_idx %gather3A_1098[%add3A_1031, %broadcast_in_dim3A_26] : memref<128x16xf32, #tpu.memory_space<vmem>>[vector<16xi32>, vector<16xi32>], vector<16xf32>,
      %add3A_1100 = arith.constant 1152 : i32
      %add3A_1101 = arith.addi %add3A_1033, %add3A_1100 : i32
      %swap3A_1102 = arith.index_cast %add3A_1101 : i32 to index
      %swap3A_1103 = tpu.vector_load %arg9[%swap3A_1102] {strides = array<i32>} : memref<4096xf32, #tpu.memory_space<vmem>>, vector<16xf32>,
      tpu.vector_store %arg9[%swap3A_1102], %gather3A_1099 {strides = array<i32>} : memref<4096xf32, #tpu.memory_space<vmem>>, vector<16xf32>,
      %gather3A_1104 = arith.constant 0 : i32
      %gather3A_1105 = tpu.memref_slice %arg8[%mul3A_207, %gather3A_1104] : memref<512x16xf32, #tpu.memory_space<vmem>> -> memref<128x16xf32, #tpu.memory_space<vmem>>
      %gather3A_1106 = tpu.vector_load_idx %gather3A_1105[%add3A_1031, %broadcast_in_dim3A_28] : memref<128x16xf32, #tpu.memory_space<vmem>>[vector<16xi32>, vector<16xi32>], vector<16xf32>,
      %add3A_1107 = arith.constant 1280 : i32
      %add3A_1108 = arith.addi %add3A_1033, %add3A_1107 : i32
      %swap3A_1109 = arith.index_cast %add3A_1108 : i32 to index
      %swap3A_1110 = tpu.vector_load %arg9[%swap3A_1109] {strides = array<i32>} : memref<4096xf32, #tpu.memory_space<vmem>>, vector<16xf32>,
      tpu.vector_store %arg9[%swap3A_1109], %gather3A_1106 {strides = array<i32>} : memref<4096xf32, #tpu.memory_space<vmem>>, vector<16xf32>,
      %gather3A_1111 = arith.constant 0 : i32
      %gather3A_1112 = tpu.memref_slice %arg8[%mul3A_207, %gather3A_1111] : memref<512x16xf32, #tpu.memory_space<vmem>> -> memref<128x16xf32, #tpu.memory_space<vmem>>
      %gather3A_1113 = tpu.vector_load_idx %gather3A_1112[%add3A_1031, %broadcast_in_dim3A_30] : memref<128x16xf32, #tpu.memory_space<vmem>>[vector<16xi32>, vector<16xi32>], vector<16xf32>,
      %add3A_1114 = arith.constant 1408 : i32
      %add3A_1115 = arith.addi %add3A_1033, %add3A_1114 : i32
      %swap3A_1116 = arith.index_cast %add3A_1115 : i32 to index
      %swap3A_1117 = tpu.vector_load %arg9[%swap3A_1116] {strides = array<i32>} : memref<4096xf32, #tpu.memory_space<vmem>>, vector<16xf32>,
      tpu.vector_store %arg9[%swap3A_1116], %gather3A_1113 {strides = array<i32>} : memref<4096xf32, #tpu.memory_space<vmem>>, vector<16xf32>,
      %gather3A_1118 = arith.constant 0 : i32
      %gather3A_1119 = tpu.memref_slice %arg8[%mul3A_207, %gather3A_1118] : memref<512x16xf32, #tpu.memory_space<vmem>> -> memref<128x16xf32, #tpu.memory_space<vmem>>
      %gather3A_1120 = tpu.vector_load_idx %gather3A_1119[%add3A_1031, %broadcast_in_dim3A_32] : memref<128x16xf32, #tpu.memory_space<vmem>>[vector<16xi32>, vector<16xi32>], vector<16xf32>,
      %add3A_1121 = arith.constant 1536 : i32
      %add3A_1122 = arith.addi %add3A_1033, %add3A_1121 : i32
      %swap3A_1123 = arith.index_cast %add3A_1122 : i32 to index
      %swap3A_1124 = tpu.vector_load %arg9[%swap3A_1123] {strides = array<i32>} : memref<4096xf32, #tpu.memory_space<vmem>>, vector<16xf32>,
      tpu.vector_store %arg9[%swap3A_1123], %gather3A_1120 {strides = array<i32>} : memref<4096xf32, #tpu.memory_space<vmem>>, vector<16xf32>,
      %gather3A_1125 = arith.constant 0 : i32
      %gather3A_1126 = tpu.memref_slice %arg8[%mul3A_207, %gather3A_1125] : memref<512x16xf32, #tpu.memory_space<vmem>> -> memref<128x16xf32, #tpu.memory_space<vmem>>
      %gather3A_1127 = tpu.vector_load_idx %gather3A_1126[%add3A_1031, %broadcast_in_dim3A_34] : memref<128x16xf32, #tpu.memory_space<vmem>>[vector<16xi32>, vector<16xi32>], vector<16xf32>,
      %add3A_1128 = arith.constant 1664 : i32
      %add3A_1129 = arith.addi %add3A_1033, %add3A_1128 : i32
      %swap3A_1130 = arith.index_cast %add3A_1129 : i32 to index
      %swap3A_1131 = tpu.vector_load %arg9[%swap3A_1130] {strides = array<i32>} : memref<4096xf32, #tpu.memory_space<vmem>>, vector<16xf32>,
      tpu.vector_store %arg9[%swap3A_1130], %gather3A_1127 {strides = array<i32>} : memref<4096xf32, #tpu.memory_space<vmem>>, vector<16xf32>,
      %gather3A_1132 = arith.constant 0 : i32
      %gather3A_1133 = tpu.memref_slice %arg8[%mul3A_207, %gather3A_1132] : memref<512x16xf32, #tpu.memory_space<vmem>> -> memref<128x16xf32, #tpu.memory_space<vmem>>
      %gather3A_1134 = tpu.vector_load_idx %gather3A_1133[%add3A_1031, %broadcast_in_dim3A_36] : memref<128x16xf32, #tpu.memory_space<vmem>>[vector<16xi32>, vector<16xi32>], vector<16xf32>,
      %add3A_1135 = arith.constant 1792 : i32
      %add3A_1136 = arith.addi %add3A_1033, %add3A_1135 : i32
      %swap3A_1137 = arith.index_cast %add3A_1136 : i32 to index
      %swap3A_1138 = tpu.vector_load %arg9[%swap3A_1137] {strides = array<i32>} : memref<4096xf32, #tpu.memory_space<vmem>>, vector<16xf32>,
      tpu.vector_store %arg9[%swap3A_1137], %gather3A_1134 {strides = array<i32>} : memref<4096xf32, #tpu.memory_space<vmem>>, vector<16xf32>,
      %gather3A_1139 = arith.constant 0 : i32
      %gather3A_1140 = tpu.memref_slice %arg8[%mul3A_207, %gather3A_1139] : memref<512x16xf32, #tpu.memory_space<vmem>> -> memref<128x16xf32, #tpu.memory_space<vmem>>
      %gather3A_1141 = tpu.vector_load_idx %gather3A_1140[%add3A_1031, %broadcast_in_dim3A_38] : memref<128x16xf32, #tpu.memory_space<vmem>>[vector<16xi32>, vector<16xi32>], vector<16xf32>,
      %add3A_1142 = arith.constant 1920 : i32
      %add3A_1143 = arith.addi %add3A_1033, %add3A_1142 : i32
      %swap3A_1144 = arith.index_cast %add3A_1143 : i32 to index
      %swap3A_1145 = tpu.vector_load %arg9[%swap3A_1144] {strides = array<i32>} : memref<4096xf32, #tpu.memory_space<vmem>>, vector<16xf32>,
      tpu.vector_store %arg9[%swap3A_1144], %gather3A_1141 {strides = array<i32>} : memref<4096xf32, #tpu.memory_space<vmem>>, vector<16xf32>,
      %rem3A_1146 = arith.constant 2 : i32
      %rem3A_1147 = arith.remsi %scan3A_181, %rem3A_1146 : i32
      %mul3A_1148 = arith.constant 2048 : i32
      %mul3A_1149 = arith.muli %rem3A_1147, %mul3A_1148 : i32
      %add3A_1150 = arith.constant 0 : i32
      %add3A_1151 = arith.addi %mul3A_1149, %add3A_1150 : i32
      %mul3A_1152 = arith.constant 128 : i32
      %mul3A_1153 = arith.muli %scan3A_181, %mul3A_1152 : i32
      %add3A_1154 = arith.addi %mul3A_2, %mul3A_1153 : i32
      %shift_right_logical3A_1155 = arith.constant 14 : i32
      %shift_right_logical3A_1156 = arith.shrui %add3A_1154, %shift_right_logical3A_1155 : i32
      %rem3A_1157 = arith.constant 16384 : i32
      %rem3A_1158 = arith.remsi %add3A_1154, %rem3A_1157 : i32
      %shift_right_logical3A_1159 = arith.constant 7 : i32
      %shift_right_logical3A_1160 = arith.shrui %rem3A_1158, %shift_right_logical3A_1159 : i32
      %mul3A_1161 = arith.constant 262144 : i32
      %mul3A_1162 = arith.muli %shift_right_logical3A_1156, %mul3A_1161 : i32
      %add3A_1163 = arith.constant 0 : i32
      %add3A_1164 = arith.addi %mul3A_1162, %add3A_1163 : i32
      %mul3A_1165 = arith.constant 1024 : i32
      %mul3A_1166 = arith.muli %shift_right_logical3A_1160, %mul3A_1165 : i32
      %add3A_1167 = arith.addi %add3A_1164, %mul3A_1166 : i32
      %dma_start3A_1168 = tpu.memref_slice %arg9[%add3A_1151] : memref<4096xf32, #tpu.memory_space<vmem>> -> memref<1024xf32, #tpu.memory_space<vmem>>
      %dma_start3A_1169 = tpu.memref_slice %arg5[%add3A_1167] : memref<6815744xf32, #tpu.memory_space<hbm>> -> memref<1024xf32, #tpu.memory_space<hbm>>
      %dma_start3A_1170 = tpu.memref_slice %arg5[%add3A_1167] : memref<6815744xf32, #tpu.memory_space<hbm>> -> memref<1024xf32, #tpu.memory_space<hbm>>
      %dma_start3A_1171 = tpu.memref_slice %arg9[%add3A_1151] : memref<4096xf32, #tpu.memory_space<vmem>> -> memref<1024xf32, #tpu.memory_space<vmem>>
      tpu.enqueue_dma source(%dma_start3A_1171 : memref<1024xf32, #tpu.memory_space<vmem>>) target(%dma_start3A_1170 : memref<1024xf32, #tpu.memory_space<hbm>>) target_semaphore(%arg11 : memref<!tpu.dma_semaphore, #tpu.memory_space<semaphore_mem>>)
      %rem3A_1172 = arith.constant 2 : i32
      %rem3A_1173 = arith.remsi %scan3A_181, %rem3A_1172 : i32
      %mul3A_1174 = arith.constant 2048 : i32
      %mul3A_1175 = arith.muli %rem3A_1173, %mul3A_1174 : i32
      %add3A_1176 = arith.constant 1024 : i32
      %add3A_1177 = arith.addi %mul3A_1175, %add3A_1176 : i32
      %mul3A_1178 = arith.constant 128 : i32
      %mul3A_1179 = arith.muli %scan3A_181, %mul3A_1178 : i32
      %add3A_1180 = arith.addi %mul3A_2, %mul3A_1179 : i32
      %shift_right_logical3A_1181 = arith.constant 14 : i32
      %shift_right_logical3A_1182 = arith.shrui %add3A_1180, %shift_right_logical3A_1181 : i32
      %rem3A_1183 = arith.constant 16384 : i32
      %rem3A_1184 = arith.remsi %add3A_1180, %rem3A_1183 : i32
      %shift_right_logical3A_1185 = arith.constant 7 : i32
      %shift_right_logical3A_1186 = arith.shrui %rem3A_1184, %shift_right_logical3A_1185 : i32
      %mul3A_1187 = arith.constant 262144 : i32
      %mul3A_1188 = arith.muli %shift_right_logical3A_1182, %mul3A_1187 : i32
      %add3A_1189 = arith.constant 131072 : i32
      %add3A_1190 = arith.addi %mul3A_1188, %add3A_1189 : i32
      %mul3A_1191 = arith.constant 1024 : i32
      %mul3A_1192 = arith.muli %shift_right_logical3A_1186, %mul3A_1191 : i32
      %add3A_1193 = arith.addi %add3A_1190, %mul3A_1192 : i32
      %dma_start3A_1194 = tpu.memref_slice %arg9[%add3A_1177] : memref<4096xf32, #tpu.memory_space<vmem>> -> memref<1024xf32, #tpu.memory_space<vmem>>
      %dma_start3A_1195 = tpu.memref_slice %arg5[%add3A_1193] : memref<6815744xf32, #tpu.memory_space<hbm>> -> memref<1024xf32, #tpu.memory_space<hbm>>
      %dma_start3A_1196 = tpu.memref_slice %arg5[%add3A_1193] : memref<6815744xf32, #tpu.memory_space<hbm>> -> memref<1024xf32, #tpu.memory_space<hbm>>
      %dma_start3A_1197 = tpu.memref_slice %arg9[%add3A_1177] : memref<4096xf32, #tpu.memory_space<vmem>> -> memref<1024xf32, #tpu.memory_space<vmem>>
      tpu.enqueue_dma source(%dma_start3A_1197 : memref<1024xf32, #tpu.memory_space<vmem>>) target(%dma_start3A_1196 : memref<1024xf32, #tpu.memory_space<hbm>>) target_semaphore(%arg11 : memref<!tpu.dma_semaphore, #tpu.memory_space<semaphore_mem>>)
    }
    %scan3A_78 = arith.constant 104 : i32
    %rem3A_79 = arith.constant 102 : i32
    %rem3A_80 = arith.constant 2 : i32
    %rem3A_81 = arith.remsi %rem3A_79, %rem3A_80 : i32
    %mul3A_82 = arith.constant 2048 : i32
    %mul3A_83 = arith.muli %rem3A_81, %mul3A_82 : i32
    %add3A_84 = arith.constant 0 : i32
    %add3A_85 = arith.addi %mul3A_83, %add3A_84 : i32
    %add3A_86 = arith.constant 13056 : i32
    %add3A_87 = arith.addi %mul3A_2, %add3A_86 : i32
    %shift_right_logical3A = arith.constant 14 : i32
    %shift_right_logical3A_88 = arith.shrui %add3A_87, %shift_right_logical3A : i32
    %rem3A_89 = arith.constant 16384 : i32
    %rem3A_90 = arith.remsi %add3A_87, %rem3A_89 : i32
    %shift_right_logical3A_91 = arith.constant 7 : i32
    %shift_right_logical3A_92 = arith.shrui %rem3A_90, %shift_right_logical3A_91 : i32
    %mul3A_93 = arith.constant 262144 : i32
    %mul3A_94 = arith.muli %shift_right_logical3A_88, %mul3A_93 : i32
    %add3A_95 = arith.constant 0 : i32
    %add3A_96 = arith.addi %mul3A_94, %add3A_95 : i32
    %mul3A_97 = arith.constant 1024 : i32
    %mul3A_98 = arith.muli %shift_right_logical3A_92, %mul3A_97 : i32
    %add3A_99 = arith.addi %add3A_96, %mul3A_98 : i32
    %dma_wait3A = tpu.memref_slice %arg9[%add3A_85] : memref<4096xf32, #tpu.memory_space<vmem>> -> memref<1024xf32, #tpu.memory_space<vmem>>
    %dma_wait3A_100 = tpu.memref_slice %arg5[%add3A_99] : memref<6815744xf32, #tpu.memory_space<hbm>> -> memref<1024xf32, #tpu.memory_space<hbm>>
    %dma_wait3A_101 = tpu.memref_slice %arg5[%add3A_99] : memref<6815744xf32, #tpu.memory_space<hbm>> -> memref<1024xf32, #tpu.memory_space<hbm>>
    %dma_wait3A_102 = tpu.memref_slice %arg9[%add3A_85] : memref<4096xf32, #tpu.memory_space<vmem>> -> memref<1024xf32, #tpu.memory_space<vmem>>
    tpu.wait_dma2 semaphore(%arg11 : memref<!tpu.dma_semaphore, #tpu.memory_space<semaphore_mem>>) src(%dma_wait3A_102 : memref<1024xf32, #tpu.memory_space<vmem>>) dst(%dma_wait3A_101 : memref<1024xf32, #tpu.memory_space<hbm>>)
    %rem3A_103 = arith.constant 102 : i32
    %rem3A_104 = arith.constant 2 : i32
    %rem3A_105 = arith.remsi %rem3A_103, %rem3A_104 : i32
    %mul3A_106 = arith.constant 2048 : i32
    %mul3A_107 = arith.muli %rem3A_105, %mul3A_106 : i32
    %add3A_108 = arith.constant 1024 : i32
    %add3A_109 = arith.addi %mul3A_107, %add3A_108 : i32
    %add3A_110 = arith.constant 13056 : i32
    %add3A_111 = arith.addi %mul3A_2, %add3A_110 : i32
    %shift_right_logical3A_112 = arith.constant 14 : i32
    %shift_right_logical3A_113 = arith.shrui %add3A_111, %shift_right_logical3A_112 : i32
    %rem3A_114 = arith.constant 16384 : i32
    %rem3A_115 = arith.remsi %add3A_111, %rem3A_114 : i32
    %shift_right_logical3A_116 = arith.constant 7 : i32
    %shift_right_logical3A_117 = arith.shrui %rem3A_115, %shift_right_logical3A_116 : i32
    %mul3A_118 = arith.constant 262144 : i32
    %mul3A_119 = arith.muli %shift_right_logical3A_113, %mul3A_118 : i32
    %add3A_120 = arith.constant 131072 : i32
    %add3A_121 = arith.addi %mul3A_119, %add3A_120 : i32
    %mul3A_122 = arith.constant 1024 : i32
    %mul3A_123 = arith.muli %shift_right_logical3A_117, %mul3A_122 : i32
    %add3A_124 = arith.addi %add3A_121, %mul3A_123 : i32
    %dma_wait3A_125 = tpu.memref_slice %arg9[%add3A_109] : memref<4096xf32, #tpu.memory_space<vmem>> -> memref<1024xf32, #tpu.memory_space<vmem>>
    %dma_wait3A_126 = tpu.memref_slice %arg5[%add3A_124] : memref<6815744xf32, #tpu.memory_space<hbm>> -> memref<1024xf32, #tpu.memory_space<hbm>>
    %dma_wait3A_127 = tpu.memref_slice %arg5[%add3A_124] : memref<6815744xf32, #tpu.memory_space<hbm>> -> memref<1024xf32, #tpu.memory_space<hbm>>
    %dma_wait3A_128 = tpu.memref_slice %arg9[%add3A_109] : memref<4096xf32, #tpu.memory_space<vmem>> -> memref<1024xf32, #tpu.memory_space<vmem>>
    tpu.wait_dma2 semaphore(%arg11 : memref<!tpu.dma_semaphore, #tpu.memory_space<semaphore_mem>>) src(%dma_wait3A_128 : memref<1024xf32, #tpu.memory_space<vmem>>) dst(%dma_wait3A_127 : memref<1024xf32, #tpu.memory_space<hbm>>)
    %rem3A_129 = arith.constant 103 : i32
    %rem3A_130 = arith.constant 2 : i32
    %rem3A_131 = arith.remsi %rem3A_129, %rem3A_130 : i32
    %mul3A_132 = arith.constant 2048 : i32
    %mul3A_133 = arith.muli %rem3A_131, %mul3A_132 : i32
    %add3A_134 = arith.constant 0 : i32
    %add3A_135 = arith.addi %mul3A_133, %add3A_134 : i32
    %add3A_136 = arith.constant 13184 : i32
    %add3A_137 = arith.addi %mul3A_2, %add3A_136 : i32
    %shift_right_logical3A_138 = arith.constant 14 : i32
    %shift_right_logical3A_139 = arith.shrui %add3A_137, %shift_right_logical3A_138 : i32
    %rem3A_140 = arith.constant 16384 : i32
    %rem3A_141 = arith.remsi %add3A_137, %rem3A_140 : i32
    %shift_right_logical3A_142 = arith.constant 7 : i32
    %shift_right_logical3A_143 = arith.shrui %rem3A_141, %shift_right_logical3A_142 : i32
    %mul3A_144 = arith.constant 262144 : i32
    %mul3A_145 = arith.muli %shift_right_logical3A_139, %mul3A_144 : i32
    %add3A_146 = arith.constant 0 : i32
    %add3A_147 = arith.addi %mul3A_145, %add3A_146 : i32
    %mul3A_148 = arith.constant 1024 : i32
    %mul3A_149 = arith.muli %shift_right_logical3A_143, %mul3A_148 : i32
    %add3A_150 = arith.addi %add3A_147, %mul3A_149 : i32
    %dma_wait3A_151 = tpu.memref_slice %arg9[%add3A_135] : memref<4096xf32, #tpu.memory_space<vmem>> -> memref<1024xf32, #tpu.memory_space<vmem>>
    %dma_wait3A_152 = tpu.memref_slice %arg5[%add3A_150] : memref<6815744xf32, #tpu.memory_space<hbm>> -> memref<1024xf32, #tpu.memory_space<hbm>>
    %dma_wait3A_153 = tpu.memref_slice %arg5[%add3A_150] : memref<6815744xf32, #tpu.memory_space<hbm>> -> memref<1024xf32, #tpu.memory_space<hbm>>
    %dma_wait3A_154 = tpu.memref_slice %arg9[%add3A_135] : memref<4096xf32, #tpu.memory_space<vmem>> -> memref<1024xf32, #tpu.memory_space<vmem>>
    tpu.wait_dma2 semaphore(%arg11 : memref<!tpu.dma_semaphore, #tpu.memory_space<semaphore_mem>>) src(%dma_wait3A_154 : memref<1024xf32, #tpu.memory_space<vmem>>) dst(%dma_wait3A_153 : memref<1024xf32, #tpu.memory_space<hbm>>)
    %rem3A_155 = arith.constant 103 : i32
    %rem3A_156 = arith.constant 2 : i32
    %rem3A_157 = arith.remsi %rem3A_155, %rem3A_156 : i32
    %mul3A_158 = arith.constant 2048 : i32
    %mul3A_159 = arith.muli %rem3A_157, %mul3A_158 : i32
    %add3A_160 = arith.constant 1024 : i32
    %add3A_161 = arith.addi %mul3A_159, %add3A_160 : i32
    %add3A_162 = arith.constant 13184 : i32
    %add3A_163 = arith.addi %mul3A_2, %add3A_162 : i32
    %shift_right_logical3A_164 = arith.constant 14 : i32
    %shift_right_logical3A_165 = arith.shrui %add3A_163, %shift_right_logical3A_164 : i32
    %rem3A_166 = arith.constant 16384 : i32
    %rem3A_167 = arith.remsi %add3A_163, %rem3A_166 : i32
    %shift_right_logical3A_168 = arith.constant 7 : i32
    %shift_right_logical3A_169 = arith.shrui %rem3A_167, %shift_right_logical3A_168 : i32
    %mul3A_170 = arith.constant 262144 : i32
    %mul3A_171 = arith.muli %shift_right_logical3A_165, %mul3A_170 : i32
    %add3A_172 = arith.constant 131072 : i32
    %add3A_173 = arith.addi %mul3A_171, %add3A_172 : i32
    %mul3A_174 = arith.constant 1024 : i32
    %mul3A_175 = arith.muli %shift_right_logical3A_169, %mul3A_174 : i32
    %add3A_176 = arith.addi %add3A_173, %mul3A_175 : i32
    %dma_wait3A_177 = tpu.memref_slice %arg9[%add3A_161] : memref<4096xf32, #tpu.memory_space<vmem>> -> memref<1024xf32, #tpu.memory_space<vmem>>
    %dma_wait3A_178 = tpu.memref_slice %arg5[%add3A_176] : memref<6815744xf32, #tpu.memory_space<hbm>> -> memref<1024xf32, #tpu.memory_space<hbm>>
    %dma_wait3A_179 = tpu.memref_slice %arg5[%add3A_176] : memref<6815744xf32, #tpu.memory_space<hbm>> -> memref<1024xf32, #tpu.memory_space<hbm>>
    %dma_wait3A_180 = tpu.memref_slice %arg9[%add3A_161] : memref<4096xf32, #tpu.memory_space<vmem>> -> memref<1024xf32, #tpu.memory_space<vmem>>
    tpu.wait_dma2 semaphore(%arg11 : memref<!tpu.dma_semaphore, #tpu.memory_space<semaphore_mem>>) src(%dma_wait3A_180 : memref<1024xf32, #tpu.memory_space<vmem>>) dst(%dma_wait3A_179 : memref<1024xf32, #tpu.memory_space<hbm>>)
    return
  }
}

</mosaic_0001>

<sc_bundles>
// kernel: kernel.3.cloned.1.call-start
scs
__scs_entry_jumppad:
0x0: {  	(pc) =	sbr.rel $0x88, $3  }
0x1: {  	(tag) =	ssettag $0x0;
	lr =	simm.s32 $0x1  }
0x2: {  	[smem:$0x3F9E] =	sst lr;
	_ =	strace $0xD0000000  }
0x3: {  	_ = 	snop  }
0x4: {  	_ = 	snop  }
0x5: {  	_ = 	snop  }
0x6: {  	_ = 	snop  }
0x7: {  	_ = 	snop  }
__scs_overlays_trampoline_lowered:
0x8: {  	[smem:$0x3FAD] =	sst s0  }
0x9: {  	[smem:$0x3FAE] =	sst s1  }
0xa: {  	[smem:$0x3FAF] =	sst s2  }
0xb: {  	[smem:$0x3FB0] =	sst s3  }
0xc: {  	[smem:$0x3FB1] =	sst s4  }
0xd: {  	[smem:$0x3FB2] =	sst s5  }
0xe: {  	[smem:$0x3FB3] =	sst s6  }
0xf: {  	[smem:$0x3FB4] =	sst s7  }
0x10: {  	[smem:$0x3FB5] =	sst s8  }
0x11: {  	[smem:$0x3FB6] =	sst s9;
	s0 =	simm.s32 @!p0 $0x0  }
0x12: {  	s1 =	sld [smem:$0x3F9C];
	s0 =	simm.s32 @p0 $0x1  }
0x13: {  	[smem:$0x3FB7] =	sst s0;
	s0 =	simm.s32 @!p1 $0x0  }
0x14: {  	s2 =	sld [smem:$0x3F9B];
	s0 =	simm.s32 @p1 $0x1  }
0x15: {  	[smem:$0x3FB8] =	sst s0;
	s0 =	simm.s32 @!p2 $0x0  }
0x16: {  	s3 =	sld [smem:$0x3FDB];
	s0 =	simm.s32 @p2 $0x1  }
0x17: {  	s4 =	simm.s32 $0x1BF5;
	[smem:$0x3FBA] =	sst s0  }
0x18: {  	s0 =	sld [smem:$0x3F9D];
	_ =	swait.ge [sflag:s4], $0x0  }
0x19: {  	s7 =	sld [smem:$0x3F9E]  }
0x1a: {  	s8 =	sadd.s32 $0xFFFFE003, lr  }
0x1b: {  	s9 =	sadd.s32 $0xFFFFFEF7, lr;
	s5 =	simm.s32 $0xFFFFFFFF;
	p2 =	slt.u32 s8, $0xFFFFF086  }
0x1c: {  	p1 =	slt.u32 s9, $0xF7A;
	s5 =	simm.s32 @!p2 $0x0  }
0x1d: {  	s5 =	simm.s32 @p1 $0x1;
	p0 =	seq.s32 s7, s2  }
0x1e: {  	s7 =	smul.u32 @!p0 $0xF7A, s2;
	p2 =	seq.s32 @!p0 s5, $0x0  }
0x1f: {  	s9 =	smul.u32 $0xF7A, s1;
	s8 =	simm.s32 @!p0 $0x1BF5;
	p2 =	por !p2, p0  }
0x20: {  	[sflag:s8] =	ssyncset.s32 @!p0 $0xFFFFF086;
	s6 =	sadd.s32 @!p0 s3, s7;
	s7 =	simm.s32 @!p0 $0x108  }
0x21: {  	s3 =	sadd.s32 s3, s9;
	s6 =	sadd.s32 @!p0 $0x88, s6;
	s7 =	simm.s32 @p2 $0x1082  }
0x22: {  	[simem:s7], [sflag:s8] =	dma.local @!p0 [hbm:s6], $0xF7A  }
0x23: {  	s9 =	sor.u32 $0xD0000000, s2;
	s6 =	simm.s32 $0x108;
	_ =	swait.ge @!p0 [sflag:s8], $0x0  }
0x24: {  	s3 =	sadd.s32 $0x88, s3;
	s6 =	simm.s32 @!p1 $0x1082;
	[sflag:s4] =	ssyncset.s32 $0xFFFFF086  }
0x25: {  	[simem:s6], [sflag:s4] =	dma.local [hbm:s3], $0xF7A  }
0x26: {  	[smem:$0x3F9E] =	sst s1;
	(tag) =	ssettag s2;
	_ =	strace s9  }
0x27: {  	s1 =	sld [smem:$0x3FAE]  }
0x28: {  	s2 =	sld [smem:$0x3FAF]  }
0x29: {  	s4 =	sld [smem:$0x3FB1]  }
0x2a: {  	p0 =	seq.s32 s5, $0x0;
	s5 =	sld [smem:$0x3FB2]  }
0x2b: {  	s6 =	sld [smem:$0x3FB3]  }
0x2c: {  	s7 =	sld [smem:$0x3FB4]  }
0x2d: {  	s3 =	simm.s32 $0x108;
	s8 =	sld [smem:$0x3FB5]  }
0x2e: {  	s3 =	simm.s32 @!p0 $0x1082;
	s9 =	sld [smem:$0x3FB6]  }
0x2f: {  	lr =	sadd.s32 s0, s3;
	s0 =	sld [smem:$0x3FAD]  }
0x30: {  	s3 =	sld [smem:$0x3FB0]  }
0x31: {  	[smem:$0x3FB9] =	sst s10  }
0x32: {  	s10 =	sld [smem:$0x3FB7];
	_ =	sdelay $0x3  }
0x33: {  	p0 =	seq.s32 s10, $0x1;
	s10 =	sld [smem:$0x3FB9];
	_ =	sdelay $0x3  }
0x34: {  	[smem:$0x3FB9] =	sst s10  }
0x35: {  	s10 =	sld [smem:$0x3FB8];
	_ =	sdelay $0x3  }
0x36: {  	p1 =	seq.s32 s10, $0x1;
	s10 =	sld [smem:$0x3FB9];
	_ =	sdelay $0x3  }
0x37: {  	[smem:$0x3FB9] =	sst s10  }
0x38: {  	s10 =	sld [smem:$0x3FBA]  }
0x39: {  	_ = 	snop;
	(pc) =	sbr.ind lr, $3  }
0x3a: {  	_ = 	snop  }
0x3b: {  	_ = 	snop  }
0x3c: {  	p2 =	seq.s32 s10, $0x1;
	s10 =	sld [smem:$0x3FB9]  }
0x3d: {  	_ =	shalt  }
0x3e: {  	_ =	shalt  }
0x3f: {  	_ =	shalt  }
0x40: {  	_ =	shalt  }
0x41: {  	_ =	shalt  }
0x42: {  	_ =	shalt  }
0x43: {  	_ =	shalt  }
0x44: {  	_ =	shalt  }
0x45: {  	_ =	shalt  }
0x46: {  	_ =	shalt  }
0x47: {  	_ =	shalt  }
0x48: {  	_ =	shalt  }
0x49: {  	_ =	shalt  }
0x4a: {  	_ =	shalt  }
0x4b: {  	_ =	shalt  }
0x4c: {  	_ =	shalt  }
0x4d: {  	_ =	shalt  }
0x4e: {  	_ =	shalt  }
0x4f: {  	_ =	shalt  }
0x50: {  	_ =	shalt  }
0x51: {  	_ =	shalt  }
0x52: {  	_ =	shalt  }
0x53: {  	_ =	shalt  }
0x54: {  	_ =	shalt  }
0x55: {  	_ =	shalt  }
0x56: {  	_ =	shalt  }
0x57: {  	_ =	shalt  }
0x58: {  	_ =	shalt  }
0x59: {  	_ =	shalt  }
0x5a: {  	_ =	shalt  }
0x5b: {  	_ =	shalt  }
0x5c: {  	_ =	shalt  }
0x5d: {  	_ =	shalt  }
0x5e: {  	_ =	shalt  }
0x5f: {  	_ =	shalt  }
0x60: {  	_ =	shalt  }
0x61: {  	_ =	shalt  }
0x62: {  	_ =	shalt  }
0x63: {  	_ =	shalt  }
0x64: {  	_ =	shalt  }
0x65: {  	_ =	shalt  }
0x66: {  	_ =	shalt  }
0x67: {  	_ =	shalt  }
0x68: {  	_ =	shalt  }
0x69: {  	_ =	shalt  }
0x6a: {  	_ =	shalt  }
0x6b: {  	_ =	shalt  }
0x6c: {  	_ =	shalt  }
0x6d: {  	_ =	shalt  }
0x6e: {  	_ =	shalt  }
0x6f: {  	_ =	shalt  }
0x70: {  	_ =	shalt  }
0x71: {  	_ =	shalt  }
0x72: {  	_ =	shalt  }
0x73: {  	_ =	shalt  }
0x74: {  	_ =	shalt  }
0x75: {  	_ =	shalt  }
0x76: {  	_ =	shalt  }
0x77: {  	_ =	shalt  }
0x78: {  	_ =	shalt  }
0x79: {  	_ =	shalt  }
0x7a: {  	_ =	shalt  }
0x7b: {  	_ =	shalt  }
0x7c: {  	_ =	shalt  }
0x7d: {  	_ =	shalt  }
0x7e: {  	_ =	shalt  }
0x7f: {  	_ =	shalt  }
0x80: {  	_ =	shalt  }
0x81: {  	_ =	shalt  }
0x82: {  	_ =	shalt  }
0x83: {  	_ =	shalt  }
0x84: {  	_ =	shalt  }
0x85: {  	_ =	shalt  }
0x86: {  	_ =	shalt  }
0x87: {  	_ =	shalt  }
.Lfunc_end0:
.L_simem_size_0:
called_computation_lowered:
.L_overlay_start_0:
0x88: {  	s2 =	sld [smem:$0x3FD9]  }
0x89: {  	s3 =	sld [smem:$0x3FFE];
	_ =	sdelay $0x1  }
0x8a: {  	s1 =	srdreg.scid  }
0x8b: {  	s0 =	sand.u32 $0x1, s1  }
0x8c: {  	s17 =	sshll.u32 s0, $0xA;
	s2 =	sadd.s32 s3, s2  }
0x8d: {  	s2 =	sadd.s32 s2, s17  }
0x8e: {  	[smem:$0x3FC5] =	sst s2  }
0x8f: {  	_ = 	snop  }
0x90: {  	s2 =	sld [smem:$0x3FD0];
	(tm) =	ssettm $0x1  }
0x91: {  	s18 =	sld [smem:$0x3FFB];
	_ =	sdelay $0x3  }
0x92: {  	_ =	strace s18  }
0x93: {  	s3 =	sld [smem:$0x3FFC];
	_ =	sdelay $0x3  }
0x94: {  	_ =	strace s3  }
0x95: {  	s3 =	sld [smem:$0x3FFD];
	_ =	sdelay $0x3  }
0x96: {  	_ =	strace s3  }
0x97: {  	_ =	strace $0x8FFFFFFF  }
0x98: {  	s19 =	sld [smem:$0x3FDB];
	_ =	sdelay $0x1  }
0x99: {  	s4 =	simm.s32 $_scs_section_size  }
0x9a: {  	s5 =	simm.s32 $_size__tile_overlayer_lowered;
	s6 =	simm.s32 $_tile_overlayer_lowered  }
0x9b: {  	s22 =	simm.s32 $0x1BFF;
	s21 =	sshll.u32 s6, $0x1;
	s3 =	sadd.s32 s4, s19  }
0x9c: {  	s7 =	simm.s32 $0x0;
	s20 =	sshll.u32 s5, $0x1;
	s5 =	sadd.s32 s21, s3  }
0x9d: {  	[timem:s7], [sflag:s22] =	dma.local [hbm:s5], s20  }
0x9e: {  	_ =	swait.ge [sflag:s22], s20  }
0x9f: {  	s4 =	ssub.s32 $0x0, s20;
	[sflag:s22] =	ssyncset.done $0x0  }
0xa0: {  	[sflag:s22] =	ssyncadd.s32 s4;
	_ =	sdelay $0x1  }
0xa1: {  	s23 =	simm.s32 $0x1B8B  }
0xa2: {  	_ =	swait.ge [sflag:s23], $0x1  }
0xa3: {  	[sflag:s23] =	ssyncset.done $0x0  }
0xa4: {  	s25 =	simm.s32 $0x1B8E;
	s24 =	sld [smem:$0x3FFE];
	[sflag:s23] =	ssyncadd.s32 $0xFFFFFFFF  }
0xa5: {  	s26 =	simm.s32 $execute0_lowered;
	[smem:$0x3FD2] =	sst s25  }
0xa6: {  	s5 =	sshll.u32 s26, $0x1;
	_ =	strace $0x80000046;
	[dreg:$0x1] =	wrdreg $0xFFFFFFFF  }
0xa7: {  	s28 =	simm.s32 $_size_execute0_lowered;
	s3 =	sadd.s32 s3, s5;
	[dreg:$0x0] =	wrdreg $0x0  }
0xa8: {  	s5 =	sshll.u32 s28, $0x1;
	[dreg:$0x2] =	wrdreg s3  }
0xa9: {  	[dreg:$0x3] =	wrdreg s5  }
0xaa: {  	[dreg:$0x4] =	wrdreg $0xC0  }
0xab: {  	_ =	task [dreg:s7], $0x5FFFF  }
0xac: {  	[dreg:$0x1] =	wrdreg $0xFFFFFFFF  }
0xad: {  	[dreg:$0x0] =	wrdreg $0x60  }
0xae: {  	[dreg:$0x2] =	wrdreg s24  }
0xaf: {  	[dreg:$0x3] =	wrdreg s2  }
0xb0: {  	[dreg:$0x4] =	wrdreg $0x9  }
0xb1: {  	_ =	task.clear_ibuf [dreg:s7], $0x5FFFF;
	_ =	strace $0x90000046  }
0xb2: {  	s29 =	simm.s32 $0x9;
	_ =	strace $0x80000048  }
0xb3: {  	_ =	swait.ge [sflag:s29], $0x1  }
0xb4: {  	[sflag:s29] =	ssyncadd.s32 $0xFFFFFFFF  }
0xb5: {  	_ =	strace $0x90000048  }
0xb6: {  	_ =	sfence  }
0xb7: {  	s30 =	sld [smem:$0x0];
	_ =	sdelay $0x2  }
0xb8: {  	s31 =	sshll.u32 s1, $0xD;
	s1 =	sshrl.u32 s1, $0x2  }
0xb9: {  	s3 =	sand.u32 $0x4000, s31;
	s1 =	sadd.s32 s1, s30  }
0xba: {  	s0 =	sor.u32 s3, s0;
	s1 =	sshll.u32 s1, $0x11  }
0xbb: {  	s0 =	sor.u32 s1, s0  }
0xbc: {  	s0 =	sadd.s32 $0x8F2B, s0  }
0xbd: {  	[sflag:s0] =	ssyncadd.remote.s32 $0x1  }
0xbe: {  	_ =	sfence.sel $0xFFFF  }
0xbf: {  	[dreg:$0x0] =	wrdreg $0xFFFFFFFF;
	(pc) =	sbr.abs _section_cstart, $3  }
0xc0: {  	[dreg:$0x1] =	wrdreg $0xFFFFFFFF  }
0xc1: {  	_ =	task.clear_ibuf [dreg:s7], $0x2FFFF;
	_ =	strace $0x9FFFFFFF  }
0xc2: {  	(tm) =	ssettm $0x7FFFFFFF  }
0xc3: {  	_ =	shalt  }
tec
execute0_lowered:
.L_overlay_start_1:
0x0: {  	(tag) =	ssettag $0x1  }
0x1: {  	v0 =	vlaneseq.u32  }
0x2: {  	v0 =	vmul.u32 $0x10, v0;
	_ =	sdelay $0x1  }
0x3: {  	v3 =	vor.u32 $0x1, v0;
	v4 =	vor.u32 $0x2, v0;
	v5 =	vor.u32 $0x3, v0  }
0x4: {  	v6 =	vor.u32 $0x4, v0;
	v7 =	vor.u32 $0x5, v0;
	v8 =	vor.u32 $0x6, v0  }
0x5: {  	v9 =	vor.u32 $0x7, v0;
	v10 =	vor.u32 $0x8, v0;
	v63 =	vor.u32 $0x9, v0  }
0x6: {  	v1 =	vor.u32 $0xA, v0;
	v11 =	vor.u32 $0xB, v0;
	v12 =	vor.u32 $0xC, v0  }
0x7: {  	v13 =	vor.u32 $0xD, v0;
	v14 =	vor.u32 $0xE, v0;
	v15 =	vor.u32 $0xF, v0  }
0x8: {  	v16 =	vor.u32 $0x100, v0;
	v17 =	vor.u32 $0x101, v0;
	v18 =	vor.u32 $0x102, v0  }
0x9: {  	v19 =	vor.u32 $0x103, v0;
	v20 =	vor.u32 $0x104, v0;
	v21 =	vor.u32 $0x105, v0  }
0xa: {  	v22 =	vor.u32 $0x106, v0;
	v23 =	vor.u32 $0x107, v0;
	v24 =	vor.u32 $0x108, v0  }
0xb: {  	s1 =	srdreg.scid;
	s5 =	rddreg [dreg:$0x0];
	v25 =	vor.u32 $0x109, v0;
	v26 =	vor.u32 $0x10A, v0;
	v27 =	vor.u32 $0x10B, v0  }
0xc: {  	s0 =	stileid.u32;
	s2 =	rddreg [dreg:$0x1];
	s3 =	simm.s32 $0x0;
	v28 =	vor.u32 $0x10C, v0;
	v29 =	vor.u32 $0x10D, v0;
	v30 =	vor.u32 $0x10E, v0  }
0xd: {  	s13 =	simm.s32 $0x80;
	s14 =	simm.s32 $0x3420;
	s15 =	simm.s32 $0x3C20;
	v31 =	vor.u32 $0x10F, v0;
	v32 =	vor.u32 $0x200, v0;
	v33 =	vor.u32 $0x201, v0  }
0xe: {  	s16 =	simm.s32 $0x100;
	[smem:$0x7FF] =	sst s3;
	s9 =	smul.u32 $0x6800, s0;
	v34 =	vor.u32 $0x202, v0;
	v35 =	vor.u32 $0x203, v0;
	v36 =	vor.u32 $0x204, v0;
	[tilespmem:$0x1FF60] =	vst v1  }
0xf: {  	s6 =	sand.u32 $0x1, s1;
	s1 =	rddreg [dreg:$0x2];
	v37 =	vor.u32 $0x205, v0;
	v38 =	vor.u32 $0x206, v0;
	v39 =	vor.u32 $0x207, v0;
	_ =	strace $0x80000047;
	[tilespmem:$0x1FF70] =	vst v3  }
0x10: {  	s17 =	simm.s32 $0x4420;
	s18 =	simm.s32 $0x2;
	s12 =	smul.u32 $0xD000, s0;
	v40 =	vor.u32 $0x208, v0;
	v41 =	vor.u32 $0x209, v0;
	v42 =	vor.u32 $0x20A, v0;
	[tilespmem:$0x1FF80] =	vst v4  }
0x11: {  	s19 =	simm.s32 $0x1;
	s30 =	sshll.u32 s0, $0x1;
	s10 =	smul.u32 $0x3400, s6;
	v43 =	vor.u32 $0x20B, v0;
	v44 =	vor.u32 $0x20C, v0;
	v45 =	vor.u32 $0x20D, v0;
	[tilespmem:$0x1FF90] =	vst v5  }
0x12: {  	s4 =	sor.u32 s6, s30;
	s8 =	ssub.s32 $0x2, s6;
	s31 =	smul.u32 $0x6800, s6;
	v46 =	vor.u32 $0x20E, v0;
	v47 =	vor.u32 $0x20F, v0;
	v48 =	vor.u32 $0x300, v0;
	[tilespmem:$0x1FFA0] =	vst v6  }
0x13: {  	s20 =	simm.s32 $0x0;
	s4 =	smul.u32 $0x3400, s4;
	s11 =	sshrl.u32 s8, $0x1;
	v49 =	vor.u32 $0x301, v0;
	v50 =	vor.u32 $0x302, v0;
	v51 =	vor.u32 $0x303, v0;
	[tilespmem:$0x1FFB0] =	vst v7  }
0x14: {  	v52 =	vor.u32 $0x304, v0;
	v53 =	vor.u32 $0x305, v0;
	v54 =	vor.u32 $0x306, v0;
	s8 =	ssub.s32 s8, s11;
	s9 =	sadd.s32 s10, s9;
	s10 =	sadd.s32 s31, s12;
	[tilespmem:$0x1FFC0] =	vst v8  }
0x15: {  	v55 =	vor.u32 $0x307, v0;
	v56 =	vor.u32 $0x308, v0;
	v57 =	vor.u32 $0x309, v0;
	s11 =	simm.s32 $0x3;
	s12 =	simm.s32 $0x3400;
	s4 =	sshrl.u32 s4, $0x3;
	[tilespmem:$0x1FFD0] =	vst v9  }
0x16: {  	v58 =	vor.u32 $0x30A, v0;
	v59 =	vor.u32 $0x30B, v0;
	v60 =	vor.u32 $0x30C, v0;
	s8 =	smax.u32 s8, $0x1;
	[tilespmem:$0x1FFE0] =	vst v10;
	s7 =	sadd.s32 s4, s5;
	s4 =	sadd.s32 $0xFDF000, s5  }
0x17: {  	v61 =	vor.u32 $0x30D, v0;
	v62 =	vor.u32 $0x30E, v0;
	[tilespmem:$0x1FFF0] =	vst v63;
	s5 =	sadd.s32 $0xD800, s5;
	s6 =	sadd.s32 $0x800, s7;
	s7 =	sadd.s32 $0x4000, s2  }
.LBB2_1:
0x18: {  	[tilespmem:s3], [sflag:$0x3] =	stream.linear.gather [hbm4b:s6+s3], $0x3400, $0x38;
	[tilespmem:$0x6420] =	vst v63  }
0x19: {  	_ =	swait.ge [sflag:s11], $0x3400  }
0x1a: {  	[sflag:s11] =	ssyncset.done $0x0  }
0x1b: {  	s21 =	sadd.s32 $0x0, s9;
	[sflag:s11] =	ssyncadd.s32 $0xFFFFCC00  }
0x1c: {  	[tilespmem:s12], [sflag:$0x3] =	stream.linear.gather [hbm4b:s5+s3], $0x20, $0x38;
	[tilespmem:$0x6420] =	vst v63  }
0x1d: {  	s21 =	sshrl.u32 s21, $0xE;
	_ =	swait.ge [sflag:s11], $0x20  }
0x1e: {  	v1 =	vmov s21;
	[sflag:s11] =	ssyncset.done $0x0  }
0x1f: {  	s21 =	simm.s32 $0x40;
	v1 =	vbroadcast v1, $0x0;
	[sflag:s11] =	ssyncadd.s32 $0xFFFFFFE0  }
0x20: {  	v6 =	vld [tilespmem:s21+$0xFFFFFFC0]  }
0x21: {  	v7 =	vld [tilespmem:s21+$0x30]  }
0x22: {  	v9 =	vld [tilespmem:s21+$0xFFFFFFD0]  }
0x23: {  	v63 =	vld [tilespmem:s21+$0xFFFFFFF0]  }
0x24: {  	v2 =	vld [tilespmem:s21+$0x10]  }
0x25: {  	v1 =	vld.idx.msk [tilespmem:v1+s12+$0x0], $0xffff  }
0x26: {  	v5 =	vld [tilespmem:s21+$0x20]  }
0x27: {  	v4 =	vld [tilespmem:s21+$0xFFFFFFE0]  }
0x28: {  	v3 =	vld [tilespmem:s21+$0x0];
	_ =	sdelay $0x1  }
0x29: {  	s23 =	simm.s32 $0x100;
	s24 =	sadd.s32 $0x80, s9;
	s22 =	simm.s32 $0x40;
	v8 =	vadd.s32 v1, v6;
	v6 =	vadd.s32 v1, v9;
	v7 =	vadd.s32 v1, v7  }
.LBB2_2:
0x2a: {  	s24 =	sshrl.u32 s24, $0xE  }
0x2b: {  	[tilespmem:s21+$0xFFFFFFC0] =	vst v8;
	v4 =	vadd.s32 v1, v4;
	v8 =	vadd.s32 v1, v63;
	v5 =	vadd.s32 v1, v5;
	s22 =	sadd.s32 $0x80, s22;
	s25 =	smov.u32 s23;
	s26 =	sadd.s32 $0x80, s23  }
0x2c: {  	p0 =	sne.s32 s23, $0x3380;
	v9 =	vmov s24;
	v3 =	vadd.s32 v1, v3;
	v1 =	vadd.s32 v1, v2;
	[tilespmem:s21+$0x30] =	vst v7  }
0x2d: {  	v7 =	vbroadcast v9, $0x0;
	[tilespmem:s21+$0xFFFFFFD0] =	vst v6  }
0x2e: {  	v63 =	vld [tilespmem:s22+$0xFFFFFFF0];
	[tilespmem:s21+$0x10] =	vst v1  }
0x2f: {  	v6 =	vld [tilespmem:s22+$0xFFFFFFC0];
	[tilespmem:s21+$0x20] =	vst v5  }
0x30: {  	v2 =	vld [tilespmem:s22+$0x10];
	[tilespmem:s21+$0xFFFFFFE0] =	vst v4  }
0x31: {  	v9 =	vld [tilespmem:s22+$0x30];
	[tilespmem:s21+$0xFFFFFFF0] =	vst v8  }
0x32: {  	v10 =	vld [tilespmem:s22+$0xFFFFFFD0];
	[tilespmem:s21+$0x0] =	vst v3;
	s21 =	smov.u32 s22  }
0x33: {  	v1 =	vld.idx.msk [tilespmem:v7+s12+$0x0], $0xffff  }
0x34: {  	v5 =	vld [tilespmem:s22+$0x20]  }
.Ltmp0:
0x35: {  	v4 =	vld [tilespmem:s22+$0xFFFFFFE0];
	(pc) =	sbr.rel @p0 .LBB2_2-.Ltmp0, $2  }
0x36: {  	v3 =	vld [tilespmem:s22+$0x0];
	_ =	sdelay $0x2  }
0x37: {  	s24 =	sadd.s32 s25, s9;
	s23 =	smov.u32 s26;
	v8 =	vadd.s32 v1, v6;
	v6 =	vadd.s32 v1, v10;
	v7 =	vadd.s32 v1, v9  }
0x38: {  	[tilespmem:s21+$0xFFFFFFC0] =	vst v8  }
0x39: {  	[tilespmem:s21+$0xFFFFFFD0] =	vst v6;
	s23 =	sshrl.u32 s24, $0xE  }
0x3a: {  	s22 =	sadd.s32 $0x80, s22;
	v2 =	vadd.s32 v1, v2;
	[tilespmem:s21+$0x30] =	vst v7;
	v7 =	vmov s23  }
0x3b: {  	v6 =	vld [tilespmem:s22+$0xFFFFFFF0];
	[tilespmem:s21+$0x10] =	vst v2;
	v2 =	vbroadcast v7, $0x0  }
0x3c: {  	v5 =	vadd.s32 v1, v5  }
0x3d: {  	v4 =	vadd.s32 v1, v4;
	[tilespmem:s21+$0x20] =	vst v5;
	v7 =	vld [tilespmem:s22+$0xFFFFFFC0]  }
0x3e: {  	v8 =	vadd.s32 v1, v63;
	v5 =	vld [tilespmem:s22+$0x10];
	[tilespmem:s21+$0xFFFFFFE0] =	vst v4  }
0x3f: {  	v1 =	vadd.s32 v1, v3;
	v4 =	vld [tilespmem:s22+$0x30];
	[tilespmem:s21+$0xFFFFFFF0] =	vst v8  }
0x40: {  	v3 =	vld [tilespmem:s22+$0xFFFFFFD0];
	[tilespmem:s21+$0x0] =	vst v1  }
0x41: {  	v1 =	vld.idx.msk [tilespmem:v2+s12+$0x0], $0xffff;
	_ =	sdelay $0x2  }
0x42: {  	v2 =	vld [tilespmem:s22+$0x20];
	_ =	sdelay $0x1  }
0x43: {  	v8 =	vld [tilespmem:s22+$0xFFFFFFE0];
	v7 =	vadd.s32 v1, v7  }
0x44: {  	v4 =	vadd.s32 v1, v4;
	[tilespmem:s22+$0xFFFFFFC0] =	vst v7  }
0x45: {  	v3 =	vadd.s32 v1, v3;
	v7 =	vld [tilespmem:s22+$0x0];
	[tilespmem:s22+$0x30] =	vst v4  }
0x46: {  	v2 =	vadd.s32 v1, v2;
	[tilespmem:s22+$0xFFFFFFD0] =	vst v3  }
0x47: {  	v4 =	vadd.s32 v1, v5;
	[tilespmem:s22+$0x20] =	vst v2  }
0x48: {  	v9 =	vld [tilespmem:$0x1FFD0];
	v3 =	vadd.s32 v1, v8;
	[tilespmem:s22+$0x10] =	vst v4  }
0x49: {  	v10 =	vld [tilespmem:$0x1FFE0];
	v2 =	vadd.s32 v1, v6;
	[tilespmem:s22+$0xFFFFFFE0] =	vst v3  }
0x4a: {  	v63 =	vld [tilespmem:$0x1FFF0];
	[tilespmem:s22+$0xFFFFFFF0] =	vst v2;
	v1 =	vadd.s32 v1, v7  }
0x4b: {  	s21 =	simm.s32 $0x0;
	v5 =	vld [tilespmem:$0x1FF90];
	[tilespmem:s22+$0x0] =	vst v1  }
0x4c: {  	v6 =	vld [tilespmem:$0x1FFA0];
	[tilespmem:s14], [sflag:$0x1] =	stream.indirect.gather [hbm4b:s4+s13], $0x10, s21, s13, $0xb8  }
0x4d: {  	s24 =	smov.u32 s10;
	s25 =	smov.u32 s9;
	v8 =	vld [tilespmem:$0x1FFC0]  }
0x4e: {  	v3 =	vld [tilespmem:$0x1FF70];
	[tilespmem:s15], [sflag:$0x1] =	stream.indirect.gather [hbm4b:s4+s13], $0x10, s13, s13, $0xb8  }
0x4f: {  	s26 =	simm.s32 $0x0;
	s23 =	simm.s32 $0x180;
	v4 =	vld [tilespmem:$0x1FF80];
	s22 =	simm.s32 $0x6000  }
0x50: {  	v7 =	vld [tilespmem:$0x1FFB0];
	[tilespmem:s17], [sflag:$0x1] =	stream.indirect.gather [hbm4b:s4+s13], $0x10, s16, s13, $0xb8  }
.LBB2_4:
0x51: {  	p0 =	sgt.u32 s26, $0x64  }
0x52: {  	s28 =	sand.u32 @!p0 $0x6000, s22  }
0x53: {  	s28 =	sshrl.u32 @!p0 s28, $0x2  }
0x54: {  	s29 =	simm.s32 @!p0 $0x80;
	p1 =	slt.u32 @!p0 s26, $0x2;
	s28 =	sadd.s32 @!p0 $0x3420, s28  }
0x55: {  	[tilespmem:s28], [sflag:$0x1] =	stream.indirect.gather @!p0 [hbm4b:s4+s29], $0x10, s23, s29, $0xb8;
	[tilespmem:$0x6420] =	vst v63  }
0x56: {  	p0 =	por p0, !p1  }
0x57: {  	_ =	swait.ge @p0 [sflag:s18], $0x400  }
0x58: {  	[sflag:s18] =	ssyncset.done @p0 $0x0  }
0x59: {  	[sflag:s18] =	ssyncadd.s32 @p0 $0xFFFFFC00  }
0x5a: {  	_ =	swait.ge @p0 [sflag:s18], $0x400  }
0x5b: {  	[sflag:s18] =	ssyncset.done @p0 $0x0  }
0x5c: {  	[sflag:s18] =	ssyncadd.s32 @p0 $0xFFFFFC00  }
0x5d: {  	s29 =	sadd.s32 $0xFFFFA000, s22;
	_ =	swait.ge [sflag:s19], $0x800  }
0x5e: {  	s28 =	sand.u32 $0x6000, s29;
	[sflag:s19] =	ssyncset.done $0x0  }
0x5f: {  	s30 =	sshrl.u32 s28, $0x2;
	[sflag:s19] =	ssyncadd.s32 $0xFFFFF800  }
0x60: {  	v1 =	vld.idx.msk [tilespmem:v0+s30+$0x3420], $0xffff;
	_ =	sdelay $0x3  }
0x61: {  	s28 =	sand.u32 $0x800, s21  }
0x62: {  	[tilespmem:s28+$0x5420] =	vst v1  }
0x63: {  	v1 =	vld.idx.msk [tilespmem:v3+s30+$0x3420], $0xffff;
	_ =	sdelay $0x4  }
0x64: {  	[tilespmem:s28+$0x54A0] =	vst v1  }
0x65: {  	v1 =	vld.idx.msk [tilespmem:v4+s30+$0x3420], $0xffff;
	_ =	sdelay $0x4  }
0x66: {  	[tilespmem:s28+$0x5520] =	vst v1  }
0x67: {  	v1 =	vld.idx.msk [tilespmem:v5+s30+$0x3420], $0xffff;
	_ =	sdelay $0x4  }
0x68: {  	[tilespmem:s28+$0x55A0] =	vst v1  }
0x69: {  	v1 =	vld.idx.msk [tilespmem:v6+s30+$0x3420], $0xffff;
	_ =	sdelay $0x4  }
0x6a: {  	[tilespmem:s28+$0x5620] =	vst v1  }
0x6b: {  	v1 =	vld.idx.msk [tilespmem:v7+s30+$0x3420], $0xffff;
	_ =	sdelay $0x4  }
0x6c: {  	[tilespmem:s28+$0x56A0] =	vst v1  }
0x6d: {  	v1 =	vld.idx.msk [tilespmem:v8+s30+$0x3420], $0xffff;
	_ =	sdelay $0x4  }
0x6e: {  	[tilespmem:s28+$0x5720] =	vst v1  }
0x6f: {  	v1 =	vld.idx.msk [tilespmem:v9+s30+$0x3420], $0xffff;
	_ =	sdelay $0x4  }
0x70: {  	[tilespmem:s28+$0x57A0] =	vst v1  }
0x71: {  	v1 =	vld.idx.msk [tilespmem:v10+s30+$0x3420], $0xffff;
	_ =	sdelay $0x4  }
0x72: {  	[tilespmem:s28+$0x5820] =	vst v1  }
0x73: {  	v1 =	vld.idx.msk [tilespmem:v63+s30+$0x3420], $0xffff;
	_ =	sdelay $0x4  }
0x74: {  	[tilespmem:s28+$0x58A0] =	vst v1;
	v1 =	vld [tilespmem:$0x1FF60];
	_ =	sdelay $0x7  }
0x75: {  	v1 =	vld.idx.msk [tilespmem:v1+s30+$0x3420], $0xffff;
	_ =	sdelay $0x4  }
0x76: {  	[tilespmem:s28+$0x5920] =	vst v1  }
0x77: {  	v1 =	vld.idx.msk [tilespmem:v11+s30+$0x3420], $0xffff;
	_ =	sdelay $0x4  }
0x78: {  	[tilespmem:s28+$0x59A0] =	vst v1  }
0x79: {  	v1 =	vld.idx.msk [tilespmem:v12+s30+$0x3420], $0xffff;
	_ =	sdelay $0x4  }
0x7a: {  	[tilespmem:s28+$0x5A20] =	vst v1  }
0x7b: {  	v1 =	vld.idx.msk [tilespmem:v13+s30+$0x3420], $0xffff;
	_ =	sdelay $0x4  }
0x7c: {  	[tilespmem:s28+$0x5AA0] =	vst v1  }
0x7d: {  	v1 =	vld.idx.msk [tilespmem:v14+s30+$0x3420], $0xffff;
	_ =	sdelay $0x4  }
0x7e: {  	[tilespmem:s28+$0x5B20] =	vst v1  }
0x7f: {  	v1 =	vld.idx.msk [tilespmem:v15+s30+$0x3420], $0xffff;
	_ =	sdelay $0x4  }
0x80: {  	[tilespmem:s28+$0x5BA0] =	vst v1  }
0x81: {  	v1 =	vld.idx.msk [tilespmem:v16+s30+$0x3420], $0xffff;
	_ =	sdelay $0x4  }
0x82: {  	[tilespmem:s28+$0x5430] =	vst v1  }
0x83: {  	v1 =	vld.idx.msk [tilespmem:v17+s30+$0x3420], $0xffff;
	_ =	sdelay $0x4  }
0x84: {  	[tilespmem:s28+$0x54B0] =	vst v1  }
0x85: {  	v1 =	vld.idx.msk [tilespmem:v18+s30+$0x3420], $0xffff;
	_ =	sdelay $0x4  }
0x86: {  	[tilespmem:s28+$0x5530] =	vst v1  }
0x87: {  	v1 =	vld.idx.msk [tilespmem:v19+s30+$0x3420], $0xffff;
	_ =	sdelay $0x4  }
0x88: {  	[tilespmem:s28+$0x55B0] =	vst v1  }
0x89: {  	v1 =	vld.idx.msk [tilespmem:v20+s30+$0x3420], $0xffff;
	_ =	sdelay $0x4  }
0x8a: {  	[tilespmem:s28+$0x5630] =	vst v1  }
0x8b: {  	v1 =	vld.idx.msk [tilespmem:v21+s30+$0x3420], $0xffff;
	_ =	sdelay $0x4  }
0x8c: {  	[tilespmem:s28+$0x56B0] =	vst v1  }
0x8d: {  	v1 =	vld.idx.msk [tilespmem:v22+s30+$0x3420], $0xffff;
	_ =	sdelay $0x4  }
0x8e: {  	[tilespmem:s28+$0x5730] =	vst v1  }
0x8f: {  	v1 =	vld.idx.msk [tilespmem:v23+s30+$0x3420], $0xffff;
	_ =	sdelay $0x4  }
0x90: {  	[tilespmem:s28+$0x57B0] =	vst v1  }
0x91: {  	v1 =	vld.idx.msk [tilespmem:v24+s30+$0x3420], $0xffff;
	_ =	sdelay $0x4  }
0x92: {  	[tilespmem:s28+$0x5830] =	vst v1  }
0x93: {  	v1 =	vld.idx.msk [tilespmem:v25+s30+$0x3420], $0xffff;
	_ =	sdelay $0x4  }
0x94: {  	[tilespmem:s28+$0x58B0] =	vst v1  }
0x95: {  	v1 =	vld.idx.msk [tilespmem:v26+s30+$0x3420], $0xffff;
	_ =	sdelay $0x4  }
0x96: {  	[tilespmem:s28+$0x5930] =	vst v1  }
0x97: {  	v1 =	vld.idx.msk [tilespmem:v27+s30+$0x3420], $0xffff;
	_ =	sdelay $0x4  }
0x98: {  	[tilespmem:s28+$0x59B0] =	vst v1  }
0x99: {  	v1 =	vld.idx.msk [tilespmem:v28+s30+$0x3420], $0xffff;
	_ =	sdelay $0x4  }
0x9a: {  	[tilespmem:s28+$0x5A30] =	vst v1  }
0x9b: {  	v1 =	vld.idx.msk [tilespmem:v29+s30+$0x3420], $0xffff;
	_ =	sdelay $0x4  }
0x9c: {  	[tilespmem:s28+$0x5AB0] =	vst v1  }
0x9d: {  	v1 =	vld.idx.msk [tilespmem:v30+s30+$0x3420], $0xffff;
	_ =	sdelay $0x4  }
0x9e: {  	[tilespmem:s28+$0x5B30] =	vst v1  }
0x9f: {  	v1 =	vld.idx.msk [tilespmem:v31+s30+$0x3420], $0xffff;
	_ =	sdelay $0x4  }
0xa0: {  	[tilespmem:s28+$0x5BB0] =	vst v1  }
0xa1: {  	v1 =	vld.idx.msk [tilespmem:v32+s30+$0x3420], $0xffff;
	_ =	sdelay $0x4  }
0xa2: {  	[tilespmem:s28+$0x5440] =	vst v1  }
0xa3: {  	v1 =	vld.idx.msk [tilespmem:v33+s30+$0x3420], $0xffff;
	_ =	sdelay $0x4  }
0xa4: {  	[tilespmem:s28+$0x54C0] =	vst v1  }
0xa5: {  	v1 =	vld.idx.msk [tilespmem:v34+s30+$0x3420], $0xffff;
	_ =	sdelay $0x4  }
0xa6: {  	[tilespmem:s28+$0x5540] =	vst v1  }
0xa7: {  	v1 =	vld.idx.msk [tilespmem:v35+s30+$0x3420], $0xffff;
	_ =	sdelay $0x4  }
0xa8: {  	[tilespmem:s28+$0x55C0] =	vst v1  }
0xa9: {  	v1 =	vld.idx.msk [tilespmem:v36+s30+$0x3420], $0xffff;
	_ =	sdelay $0x4  }
0xaa: {  	[tilespmem:s28+$0x5640] =	vst v1  }
0xab: {  	v1 =	vld.idx.msk [tilespmem:v37+s30+$0x3420], $0xffff;
	_ =	sdelay $0x4  }
0xac: {  	[tilespmem:s28+$0x56C0] =	vst v1  }
0xad: {  	v1 =	vld.idx.msk [tilespmem:v38+s30+$0x3420], $0xffff;
	_ =	sdelay $0x4  }
0xae: {  	[tilespmem:s28+$0x5740] =	vst v1  }
0xaf: {  	v1 =	vld.idx.msk [tilespmem:v39+s30+$0x3420], $0xffff;
	_ =	sdelay $0x4  }
0xb0: {  	[tilespmem:s28+$0x57C0] =	vst v1  }
0xb1: {  	v1 =	vld.idx.msk [tilespmem:v40+s30+$0x3420], $0xffff;
	_ =	sdelay $0x4  }
0xb2: {  	[tilespmem:s28+$0x5840] =	vst v1  }
0xb3: {  	v1 =	vld.idx.msk [tilespmem:v41+s30+$0x3420], $0xffff;
	_ =	sdelay $0x4  }
0xb4: {  	[tilespmem:s28+$0x58C0] =	vst v1  }
0xb5: {  	v1 =	vld.idx.msk [tilespmem:v42+s30+$0x3420], $0xffff;
	_ =	sdelay $0x4  }
0xb6: {  	[tilespmem:s28+$0x5940] =	vst v1  }
0xb7: {  	v1 =	vld.idx.msk [tilespmem:v43+s30+$0x3420], $0xffff;
	_ =	sdelay $0x4  }
0xb8: {  	[tilespmem:s28+$0x59C0] =	vst v1  }
0xb9: {  	v1 =	vld.idx.msk [tilespmem:v44+s30+$0x3420], $0xffff;
	_ =	sdelay $0x4  }
0xba: {  	[tilespmem:s28+$0x5A40] =	vst v1  }
0xbb: {  	v1 =	vld.idx.msk [tilespmem:v45+s30+$0x3420], $0xffff;
	_ =	sdelay $0x4  }
0xbc: {  	[tilespmem:s28+$0x5AC0] =	vst v1  }
0xbd: {  	v1 =	vld.idx.msk [tilespmem:v46+s30+$0x3420], $0xffff;
	_ =	sdelay $0x4  }
0xbe: {  	[tilespmem:s28+$0x5B40] =	vst v1  }
0xbf: {  	v1 =	vld.idx.msk [tilespmem:v47+s30+$0x3420], $0xffff;
	_ =	sdelay $0x4  }
0xc0: {  	[tilespmem:s28+$0x5BC0] =	vst v1  }
0xc1: {  	v1 =	vld.idx.msk [tilespmem:v48+s30+$0x3420], $0xffff;
	_ =	sdelay $0x4  }
0xc2: {  	[tilespmem:s28+$0x5450] =	vst v1  }
0xc3: {  	v1 =	vld.idx.msk [tilespmem:v49+s30+$0x3420], $0xffff;
	_ =	sdelay $0x4  }
0xc4: {  	[tilespmem:s28+$0x54D0] =	vst v1  }
0xc5: {  	v1 =	vld.idx.msk [tilespmem:v50+s30+$0x3420], $0xffff;
	_ =	sdelay $0x4  }
0xc6: {  	[tilespmem:s28+$0x5550] =	vst v1  }
0xc7: {  	v1 =	vld.idx.msk [tilespmem:v51+s30+$0x3420], $0xffff;
	_ =	sdelay $0x4  }
0xc8: {  	[tilespmem:s28+$0x55D0] =	vst v1  }
0xc9: {  	v1 =	vld.idx.msk [tilespmem:v52+s30+$0x3420], $0xffff;
	_ =	sdelay $0x4  }
0xca: {  	[tilespmem:s28+$0x5650] =	vst v1  }
0xcb: {  	v1 =	vld.idx.msk [tilespmem:v53+s30+$0x3420], $0xffff;
	_ =	sdelay $0x4  }
0xcc: {  	[tilespmem:s28+$0x56D0] =	vst v1  }
0xcd: {  	v1 =	vld.idx.msk [tilespmem:v54+s30+$0x3420], $0xffff;
	_ =	sdelay $0x4  }
0xce: {  	[tilespmem:s28+$0x5750] =	vst v1  }
0xcf: {  	v1 =	vld.idx.msk [tilespmem:v55+s30+$0x3420], $0xffff;
	_ =	sdelay $0x4  }
0xd0: {  	[tilespmem:s28+$0x57D0] =	vst v1  }
0xd1: {  	v1 =	vld.idx.msk [tilespmem:v56+s30+$0x3420], $0xffff;
	_ =	sdelay $0x4  }
0xd2: {  	[tilespmem:s28+$0x5850] =	vst v1  }
0xd3: {  	v1 =	vld.idx.msk [tilespmem:v57+s30+$0x3420], $0xffff;
	_ =	sdelay $0x4  }
0xd4: {  	[tilespmem:s28+$0x58D0] =	vst v1  }
0xd5: {  	v1 =	vld.idx.msk [tilespmem:v58+s30+$0x3420], $0xffff;
	_ =	sdelay $0x4  }
0xd6: {  	[tilespmem:s28+$0x5950] =	vst v1  }
0xd7: {  	v1 =	vld.idx.msk [tilespmem:v59+s30+$0x3420], $0xffff;
	_ =	sdelay $0x4  }
0xd8: {  	[tilespmem:s28+$0x59D0] =	vst v1  }
0xd9: {  	v1 =	vld.idx.msk [tilespmem:v60+s30+$0x3420], $0xffff;
	_ =	sdelay $0x4  }
0xda: {  	[tilespmem:s28+$0x5A50] =	vst v1  }
0xdb: {  	v1 =	vld.idx.msk [tilespmem:v61+s30+$0x3420], $0xffff;
	_ =	sdelay $0x4  }
0xdc: {  	[tilespmem:s28+$0x5AD0] =	vst v1  }
0xdd: {  	v1 =	vld.idx.msk [tilespmem:v62+s30+$0x3420], $0xffff  }
0xde: {  	v2 =	vor.u32 $0x30F, v0;
	_ =	sdelay $0x3  }
0xdf: {  	[tilespmem:s28+$0x5B50] =	vst v1  }
0xe0: {  	v1 =	vld.idx.msk [tilespmem:v2+s30+$0x3420], $0xffff  }
0xe1: {  	v2 =	vor.u32 $0x400, v0;
	_ =	sdelay $0x3  }
0xe2: {  	[tilespmem:s28+$0x5BD0] =	vst v1  }
0xe3: {  	v1 =	vld.idx.msk [tilespmem:v2+s30+$0x3420], $0xffff  }
0xe4: {  	v2 =	vor.u32 $0x401, v0;
	_ =	sdelay $0x3  }
0xe5: {  	[tilespmem:s28+$0x5460] =	vst v1  }
0xe6: {  	v1 =	vld.idx.msk [tilespmem:v2+s30+$0x3420], $0xffff  }
0xe7: {  	v2 =	vor.u32 $0x402, v0;
	_ =	sdelay $0x3  }
0xe8: {  	[tilespmem:s28+$0x54E0] =	vst v1  }
0xe9: {  	v1 =	vld.idx.msk [tilespmem:v2+s30+$0x3420], $0xffff  }
0xea: {  	v2 =	vor.u32 $0x403, v0;
	_ =	sdelay $0x3  }
0xeb: {  	[tilespmem:s28+$0x5560] =	vst v1  }
0xec: {  	v1 =	vld.idx.msk [tilespmem:v2+s30+$0x3420], $0xffff  }
0xed: {  	v2 =	vor.u32 $0x404, v0;
	_ =	sdelay $0x3  }
0xee: {  	[tilespmem:s28+$0x55E0] =	vst v1  }
0xef: {  	v1 =	vld.idx.msk [tilespmem:v2+s30+$0x3420], $0xffff  }
0xf0: {  	v2 =	vor.u32 $0x405, v0;
	_ =	sdelay $0x3  }
0xf1: {  	[tilespmem:s28+$0x5660] =	vst v1  }
0xf2: {  	v1 =	vld.idx.msk [tilespmem:v2+s30+$0x3420], $0xffff  }
0xf3: {  	v2 =	vor.u32 $0x406, v0;
	_ =	sdelay $0x3  }
0xf4: {  	[tilespmem:s28+$0x56E0] =	vst v1  }
0xf5: {  	v1 =	vld.idx.msk [tilespmem:v2+s30+$0x3420], $0xffff  }
0xf6: {  	v2 =	vor.u32 $0x407, v0;
	_ =	sdelay $0x3  }
0xf7: {  	[tilespmem:s28+$0x5760] =	vst v1  }
0xf8: {  	v1 =	vld.idx.msk [tilespmem:v2+s30+$0x3420], $0xffff  }
0xf9: {  	v2 =	vor.u32 $0x408, v0;
	_ =	sdelay $0x3  }
0xfa: {  	[tilespmem:s28+$0x57E0] =	vst v1  }
0xfb: {  	v1 =	vld.idx.msk [tilespmem:v2+s30+$0x3420], $0xffff  }
0xfc: {  	v2 =	vor.u32 $0x409, v0;
	_ =	sdelay $0x3  }
0xfd: {  	[tilespmem:s28+$0x5860] =	vst v1  }
0xfe: {  	v1 =	vld.idx.msk [tilespmem:v2+s30+$0x3420], $0xffff  }
0xff: {  	v2 =	vor.u32 $0x40A, v0;
	_ =	sdelay $0x3  }
0x100: {  	[tilespmem:s28+$0x58E0] =	vst v1  }
0x101: {  	v1 =	vld.idx.msk [tilespmem:v2+s30+$0x3420], $0xffff  }
0x102: {  	v2 =	vor.u32 $0x40B, v0;
	_ =	sdelay $0x3  }
0x103: {  	[tilespmem:s28+$0x5960] =	vst v1  }
0x104: {  	v1 =	vld.idx.msk [tilespmem:v2+s30+$0x3420], $0xffff  }
0x105: {  	v2 =	vor.u32 $0x40C, v0;
	_ =	sdelay $0x3  }
0x106: {  	[tilespmem:s28+$0x59E0] =	vst v1  }
0x107: {  	v1 =	vld.idx.msk [tilespmem:v2+s30+$0x3420], $0xffff  }
0x108: {  	v2 =	vor.u32 $0x40D, v0;
	_ =	sdelay $0x3  }
0x109: {  	[tilespmem:s28+$0x5A60] =	vst v1  }
0x10a: {  	v1 =	vld.idx.msk [tilespmem:v2+s30+$0x3420], $0xffff  }
0x10b: {  	v2 =	vor.u32 $0x40E, v0;
	_ =	sdelay $0x3  }
0x10c: {  	[tilespmem:s28+$0x5AE0] =	vst v1  }
0x10d: {  	v1 =	vld.idx.msk [tilespmem:v2+s30+$0x3420], $0xffff  }
0x10e: {  	v2 =	vor.u32 $0x40F, v0;
	_ =	sdelay $0x3  }
0x10f: {  	[tilespmem:s28+$0x5B60] =	vst v1  }
0x110: {  	v1 =	vld.idx.msk [tilespmem:v2+s30+$0x3420], $0xffff  }
0x111: {  	v2 =	vor.u32 $0x500, v0;
	_ =	sdelay $0x3  }
0x112: {  	[tilespmem:s28+$0x5BE0] =	vst v1  }
0x113: {  	v1 =	vld.idx.msk [tilespmem:v2+s30+$0x3420], $0xffff  }
0x114: {  	v2 =	vor.u32 $0x501, v0;
	_ =	sdelay $0x3  }
0x115: {  	[tilespmem:s28+$0x5470] =	vst v1  }
0x116: {  	v1 =	vld.idx.msk [tilespmem:v2+s30+$0x3420], $0xffff  }
0x117: {  	v2 =	vor.u32 $0x502, v0;
	_ =	sdelay $0x3  }
0x118: {  	[tilespmem:s28+$0x54F0] =	vst v1  }
0x119: {  	v1 =	vld.idx.msk [tilespmem:v2+s30+$0x3420], $0xffff  }
0x11a: {  	v2 =	vor.u32 $0x503, v0;
	_ =	sdelay $0x3  }
0x11b: {  	[tilespmem:s28+$0x5570] =	vst v1  }
0x11c: {  	v1 =	vld.idx.msk [tilespmem:v2+s30+$0x3420], $0xffff  }
0x11d: {  	v2 =	vor.u32 $0x504, v0;
	_ =	sdelay $0x3  }
0x11e: {  	[tilespmem:s28+$0x55F0] =	vst v1  }
0x11f: {  	v1 =	vld.idx.msk [tilespmem:v2+s30+$0x3420], $0xffff  }
0x120: {  	v2 =	vor.u32 $0x505, v0;
	_ =	sdelay $0x3  }
0x121: {  	[tilespmem:s28+$0x5670] =	vst v1  }
0x122: {  	v1 =	vld.idx.msk [tilespmem:v2+s30+$0x3420], $0xffff  }
0x123: {  	v2 =	vor.u32 $0x506, v0;
	_ =	sdelay $0x3  }
0x124: {  	[tilespmem:s28+$0x56F0] =	vst v1  }
0x125: {  	v1 =	vld.idx.msk [tilespmem:v2+s30+$0x3420], $0xffff  }
0x126: {  	v2 =	vor.u32 $0x507, v0;
	_ =	sdelay $0x3  }
0x127: {  	[tilespmem:s28+$0x5770] =	vst v1  }
0x128: {  	v1 =	vld.idx.msk [tilespmem:v2+s30+$0x3420], $0xffff  }
0x129: {  	v2 =	vor.u32 $0x508, v0;
	_ =	sdelay $0x3  }
0x12a: {  	[tilespmem:s28+$0x57F0] =	vst v1  }
0x12b: {  	v1 =	vld.idx.msk [tilespmem:v2+s30+$0x3420], $0xffff  }
0x12c: {  	v2 =	vor.u32 $0x509, v0;
	_ =	sdelay $0x3  }
0x12d: {  	[tilespmem:s28+$0x5870] =	vst v1  }
0x12e: {  	v1 =	vld.idx.msk [tilespmem:v2+s30+$0x3420], $0xffff  }
0x12f: {  	v2 =	vor.u32 $0x50A, v0;
	_ =	sdelay $0x3  }
0x130: {  	[tilespmem:s28+$0x58F0] =	vst v1  }
0x131: {  	v1 =	vld.idx.msk [tilespmem:v2+s30+$0x3420], $0xffff  }
0x132: {  	v2 =	vor.u32 $0x50B, v0;
	_ =	sdelay $0x3  }
0x133: {  	[tilespmem:s28+$0x5970] =	vst v1  }
0x134: {  	v1 =	vld.idx.msk [tilespmem:v2+s30+$0x3420], $0xffff  }
0x135: {  	v2 =	vor.u32 $0x50C, v0;
	_ =	sdelay $0x3  }
0x136: {  	[tilespmem:s28+$0x59F0] =	vst v1  }
0x137: {  	v1 =	vld.idx.msk [tilespmem:v2+s30+$0x3420], $0xffff  }
0x138: {  	v2 =	vor.u32 $0x50D, v0;
	_ =	sdelay $0x3  }
0x139: {  	[tilespmem:s28+$0x5A70] =	vst v1  }
0x13a: {  	v1 =	vld.idx.msk [tilespmem:v2+s30+$0x3420], $0xffff  }
0x13b: {  	v2 =	vor.u32 $0x50E, v0;
	_ =	sdelay $0x3  }
0x13c: {  	[tilespmem:s28+$0x5AF0] =	vst v1  }
0x13d: {  	v1 =	vld.idx.msk [tilespmem:v2+s30+$0x3420], $0xffff  }
0x13e: {  	v2 =	vor.u32 $0x50F, v0;
	_ =	sdelay $0x3  }
0x13f: {  	[tilespmem:s28+$0x5B70] =	vst v1  }
0x140: {  	v1 =	vld.idx.msk [tilespmem:v2+s30+$0x3420], $0xffff  }
0x141: {  	v2 =	vor.u32 $0x600, v0;
	_ =	sdelay $0x3  }
0x142: {  	[tilespmem:s28+$0x5BF0] =	vst v1  }
0x143: {  	v1 =	vld.idx.msk [tilespmem:v2+s30+$0x3420], $0xffff  }
0x144: {  	v2 =	vor.u32 $0x601, v0;
	_ =	sdelay $0x3  }
0x145: {  	[tilespmem:s28+$0x5480] =	vst v1  }
0x146: {  	v1 =	vld.idx.msk [tilespmem:v2+s30+$0x3420], $0xffff  }
0x147: {  	v2 =	vor.u32 $0x602, v0;
	_ =	sdelay $0x3  }
0x148: {  	[tilespmem:s28+$0x5500] =	vst v1  }
0x149: {  	v1 =	vld.idx.msk [tilespmem:v2+s30+$0x3420], $0xffff  }
0x14a: {  	v2 =	vor.u32 $0x603, v0;
	_ =	sdelay $0x3  }
0x14b: {  	[tilespmem:s28+$0x5580] =	vst v1  }
0x14c: {  	v1 =	vld.idx.msk [tilespmem:v2+s30+$0x3420], $0xffff  }
0x14d: {  	v2 =	vor.u32 $0x604, v0;
	_ =	sdelay $0x3  }
0x14e: {  	[tilespmem:s28+$0x5600] =	vst v1  }
0x14f: {  	v1 =	vld.idx.msk [tilespmem:v2+s30+$0x3420], $0xffff  }
0x150: {  	v2 =	vor.u32 $0x605, v0;
	_ =	sdelay $0x3  }
0x151: {  	[tilespmem:s28+$0x5680] =	vst v1  }
0x152: {  	v1 =	vld.idx.msk [tilespmem:v2+s30+$0x3420], $0xffff  }
0x153: {  	v2 =	vor.u32 $0x606, v0;
	_ =	sdelay $0x3  }
0x154: {  	[tilespmem:s28+$0x5700] =	vst v1  }
0x155: {  	v1 =	vld.idx.msk [tilespmem:v2+s30+$0x3420], $0xffff  }
0x156: {  	v2 =	vor.u32 $0x607, v0;
	_ =	sdelay $0x3  }
0x157: {  	[tilespmem:s28+$0x5780] =	vst v1  }
0x158: {  	v1 =	vld.idx.msk [tilespmem:v2+s30+$0x3420], $0xffff  }
0x159: {  	v2 =	vor.u32 $0x608, v0;
	_ =	sdelay $0x3  }
0x15a: {  	[tilespmem:s28+$0x5800] =	vst v1  }
0x15b: {  	v1 =	vld.idx.msk [tilespmem:v2+s30+$0x3420], $0xffff  }
0x15c: {  	v2 =	vor.u32 $0x609, v0;
	_ =	sdelay $0x3  }
0x15d: {  	[tilespmem:s28+$0x5880] =	vst v1  }
0x15e: {  	v1 =	vld.idx.msk [tilespmem:v2+s30+$0x3420], $0xffff  }
0x15f: {  	v2 =	vor.u32 $0x60A, v0;
	_ =	sdelay $0x3  }
0x160: {  	[tilespmem:s28+$0x5900] =	vst v1  }
0x161: {  	v1 =	vld.idx.msk [tilespmem:v2+s30+$0x3420], $0xffff  }
0x162: {  	v2 =	vor.u32 $0x60B, v0;
	_ =	sdelay $0x3  }
0x163: {  	[tilespmem:s28+$0x5980] =	vst v1  }
0x164: {  	v1 =	vld.idx.msk [tilespmem:v2+s30+$0x3420], $0xffff  }
0x165: {  	v2 =	vor.u32 $0x60C, v0;
	_ =	sdelay $0x3  }
0x166: {  	[tilespmem:s28+$0x5A00] =	vst v1  }
0x167: {  	v1 =	vld.idx.msk [tilespmem:v2+s30+$0x3420], $0xffff  }
0x168: {  	v2 =	vor.u32 $0x60D, v0;
	_ =	sdelay $0x3  }
0x169: {  	[tilespmem:s28+$0x5A80] =	vst v1  }
0x16a: {  	v1 =	vld.idx.msk [tilespmem:v2+s30+$0x3420], $0xffff  }
0x16b: {  	v2 =	vor.u32 $0x60E, v0;
	_ =	sdelay $0x3  }
0x16c: {  	[tilespmem:s28+$0x5B00] =	vst v1  }
0x16d: {  	v1 =	vld.idx.msk [tilespmem:v2+s30+$0x3420], $0xffff  }
0x16e: {  	v2 =	vor.u32 $0x60F, v0;
	_ =	sdelay $0x3  }
0x16f: {  	[tilespmem:s28+$0x5B80] =	vst v1  }
0x170: {  	v1 =	vld.idx.msk [tilespmem:v2+s30+$0x3420], $0xffff  }
0x171: {  	v2 =	vor.u32 $0x700, v0;
	_ =	sdelay $0x3  }
0x172: {  	[tilespmem:s28+$0x5C00] =	vst v1  }
0x173: {  	v1 =	vld.idx.msk [tilespmem:v2+s30+$0x3420], $0xffff  }
0x174: {  	v2 =	vor.u32 $0x701, v0;
	_ =	sdelay $0x3  }
0x175: {  	[tilespmem:s28+$0x5490] =	vst v1  }
0x176: {  	v1 =	vld.idx.msk [tilespmem:v2+s30+$0x3420], $0xffff  }
0x177: {  	v2 =	vor.u32 $0x702, v0;
	_ =	sdelay $0x3  }
0x178: {  	[tilespmem:s28+$0x5510] =	vst v1  }
0x179: {  	v1 =	vld.idx.msk [tilespmem:v2+s30+$0x3420], $0xffff  }
0x17a: {  	v2 =	vor.u32 $0x703, v0;
	_ =	sdelay $0x3  }
0x17b: {  	[tilespmem:s28+$0x5590] =	vst v1  }
0x17c: {  	v1 =	vld.idx.msk [tilespmem:v2+s30+$0x3420], $0xffff  }
0x17d: {  	v2 =	vor.u32 $0x704, v0;
	_ =	sdelay $0x3  }
0x17e: {  	[tilespmem:s28+$0x5610] =	vst v1  }
0x17f: {  	v1 =	vld.idx.msk [tilespmem:v2+s30+$0x3420], $0xffff  }
0x180: {  	v2 =	vor.u32 $0x705, v0;
	_ =	sdelay $0x3  }
0x181: {  	[tilespmem:s28+$0x5690] =	vst v1  }
0x182: {  	v1 =	vld.idx.msk [tilespmem:v2+s30+$0x3420], $0xffff  }
0x183: {  	v2 =	vor.u32 $0x706, v0;
	_ =	sdelay $0x3  }
0x184: {  	[tilespmem:s28+$0x5710] =	vst v1  }
0x185: {  	v1 =	vld.idx.msk [tilespmem:v2+s30+$0x3420], $0xffff  }
0x186: {  	v2 =	vor.u32 $0x707, v0;
	_ =	sdelay $0x3  }
0x187: {  	[tilespmem:s28+$0x5790] =	vst v1  }
0x188: {  	v1 =	vld.idx.msk [tilespmem:v2+s30+$0x3420], $0xffff  }
0x189: {  	v2 =	vor.u32 $0x708, v0;
	_ =	sdelay $0x3  }
0x18a: {  	[tilespmem:s28+$0x5810] =	vst v1  }
0x18b: {  	v1 =	vld.idx.msk [tilespmem:v2+s30+$0x3420], $0xffff  }
0x18c: {  	v2 =	vor.u32 $0x709, v0;
	_ =	sdelay $0x3  }
0x18d: {  	[tilespmem:s28+$0x5890] =	vst v1  }
0x18e: {  	v1 =	vld.idx.msk [tilespmem:v2+s30+$0x3420], $0xffff  }
0x18f: {  	v2 =	vor.u32 $0x70A, v0;
	_ =	sdelay $0x3  }
0x190: {  	[tilespmem:s28+$0x5910] =	vst v1  }
0x191: {  	v1 =	vld.idx.msk [tilespmem:v2+s30+$0x3420], $0xffff  }
0x192: {  	v2 =	vor.u32 $0x70B, v0;
	_ =	sdelay $0x3  }
0x193: {  	[tilespmem:s28+$0x5990] =	vst v1  }
0x194: {  	v1 =	vld.idx.msk [tilespmem:v2+s30+$0x3420], $0xffff  }
0x195: {  	v2 =	vor.u32 $0x70C, v0;
	_ =	sdelay $0x3  }
0x196: {  	[tilespmem:s28+$0x5A10] =	vst v1  }
0x197: {  	v1 =	vld.idx.msk [tilespmem:v2+s30+$0x3420], $0xffff  }
0x198: {  	v2 =	vor.u32 $0x70D, v0;
	_ =	sdelay $0x3  }
0x199: {  	[tilespmem:s28+$0x5A90] =	vst v1  }
0x19a: {  	v1 =	vld.idx.msk [tilespmem:v2+s30+$0x3420], $0xffff  }
0x19b: {  	v2 =	vor.u32 $0x70E, v0;
	_ =	sdelay $0x3  }
0x19c: {  	[tilespmem:s28+$0x5B10] =	vst v1  }
0x19d: {  	v1 =	vld.idx.msk [tilespmem:v2+s30+$0x3420], $0xffff  }
0x19e: {  	v2 =	vor.u32 $0x70F, v0;
	_ =	sdelay $0x3  }
0x19f: {  	[tilespmem:s28+$0x5B90] =	vst v1  }
0x1a0: {  	v1 =	vld.idx.msk [tilespmem:v2+s30+$0x3420], $0xffff;
	_ =	sdelay $0x1  }
0x1a1: {  	s31 =	sand.u32 $0xFFF8000, s24;
	s24 =	sadd.s32 $0x100, s24;
	s26 =	sadd.s32 $0x1, s26  }
0x1a2: {  	s22 =	sadd.s32 $0x2000, s22;
	p0 =	sne.s32 s26, $0x68;
	s30 =	sand.u32 $0x3F80, s25  }
.Ltmp1:
0x1a3: {  	s23 =	sadd.s32 $0x80, s23;
	s29 =	sor.u32 s30, s31;
	(pc) =	sbr.rel @p0 .LBB2_4-.Ltmp1, $4  }
0x1a4: {  	s21 =	sadd.s32 $0x800, s21;
	s30 =	sor.u32 $0x5420, s28;
	s31 =	sadd.s32 s2, s29;
	[tilespmem:s28+$0x5C10] =	vst v1  }
0x1a5: {  	[hbm4b:s31+s3] =	stream.linear.scatter [tilespmem:s30], [sflag:$0x2], $0x400, $0x38;
	[tilespmem:$0x6420] =	vst v63  }
0x1a6: {  	s25 =	sadd.s32 $0x80, s25;
	s29 =	sadd.s32 s29, s7;
	s28 =	sadd.s32 $0x5820, s28  }
0x1a7: {  	[hbm4b:s29+s3] =	stream.linear.scatter [tilespmem:s28], [sflag:$0x2], $0x400, $0x38;
	[tilespmem:$0x6420] =	vst v63  }
0x1a8: {  	_ =	swait.ge [sflag:s18], $0x400  }
0x1a9: {  	[sflag:s18] =	ssyncset.done $0x0  }
0x1aa: {  	[sflag:s18] =	ssyncadd.s32 $0xFFFFFC00  }
0x1ab: {  	_ =	swait.ge [sflag:s18], $0x400  }
0x1ac: {  	[sflag:s18] =	ssyncset.done $0x0  }
0x1ad: {  	s20 =	sadd.s32 $0x1, s20;
	[sflag:s18] =	ssyncadd.s32 $0xFFFFFC00  }
0x1ae: {  	p0 =	sne.s32 s20, s8;
	_ =	swait.ge [sflag:s18], $0x400  }
.Ltmp2:
0x1af: {  	[sflag:s18] =	ssyncset.done $0x0;
	(pc) =	sbr.rel @p0 .LBB2_1-.Ltmp2, $4  }
0x1b0: {  	[sflag:s18] =	ssyncadd.s32 $0xFFFFFC00  }
0x1b1: {  	_ =	swait.ge [sflag:s18], $0x400  }
0x1b2: {  	[sflag:s18] =	ssyncset.done $0x0  }
0x1b3: {  	[sflag:s18] =	ssyncadd.s32 $0xFFFFFC00  }
0x1b4: {  	_ =	sfence.sel $0x180000  }
0x1b5: {  	[bflag:$0x0] =	sbarrier.arrive $0xFFFF  }
0x1b6: {  	p0 =	sne.s32 s0, $0x0;
	_ =	strace $0x90000047  }
0x1b7: {  	s0 =	sadd.s32 @!p0 $0x100000, s1;
	[bflag:$0x2] =	sbarrier.arrive $0xFFFF  }
0x1b8: {  	[sflag:s0] =	ssyncadd.tile.s32 @!p0 $0x1;
	_ =	shalt  }
.Lfunc_end2:
_tile_overlayer_lowered:
.L_overlay_start_2:
0x1b9: {  	(tag) =	ssettag $0x2  }
0x1ba: {  	s0 =	rddreg [dreg:$0x0];
	s2 =	stileid.u32  }
0x1bb: {  	s1 =	rddreg [dreg:$0x1];
	p0 =	sne.s32 s2, $0x0  }
0x1bc: {  	s3 =	rddreg [dreg:$0x2];
	[bflag:$0x3] =	sbarrier.arrive $0xFFFF;
	s2 =	simm.s32 @!p0 $0x1C03  }
0x1bd: {  	[timem:s3], [sflag:s2] =	dma.local @!p0 [hbm:s0], s1  }
0x1be: {  	s0 =	simm.s32 @!p0 $0x3  }
0x1bf: {  	_ =	swait.ge @!p0 [sflag:s0], s1  }
0x1c0: {  	s1 =	ssub.s32 @!p0 $0x0, s1;
	[sflag:s0] =	ssyncset.done @!p0 $0x0  }
0x1c1: {  	[sflag:s0] =	ssyncadd.s32 @!p0 s1  }
0x1c2: {  	[bflag:$0x3] =	sbarrier.arrive $0xFFFF  }
0x1c3: {  	_ =	shalt  }

</sc_bundles>
